<compile_context>
chip_gen: v7x
topology: tpu7x:2x2x1
jax: 0.10.2.dev20260603
libtpu: 0.0.44.dev20260713+nightly
codegen_flags: <defaults>
</compile_context>

<pallas_src>
import functools

import jax
import jax.numpy as jnp
from jax import lax
from jax.experimental import pallas as pl
from jax.experimental.pallas import tpu as pltpu
from jax.experimental.pallas import tpu_sc as plsc

_HID = 256
_K = 16
_N = 32768
_S = 1024
_PAD_D = 16

_TOPK_BS = 64
_TOPK_C = 2048
_TOPK_CH = 512
_MLP_ROWS = 2048
_MLP_SUP = _MLP_ROWS // _K

_LOG1E4 = 9.210340371976184


def _sc_gather_rows(table, idx):
    B = idx.shape[0]
    info = plsc.get_sparse_core_info()
    nw = info.num_cores * info.num_subcores
    bpw = B // nw
    mesh = plsc.VectorSubcoreMesh(core_axis_name="c", subcore_axis_name="s")

    @functools.partial(
        pl.kernel,
        mesh=mesh,
        compiler_params=pltpu.CompilerParams(use_tc_tiling_on_sc=False),
        out_type=jax.ShapeDtypeStruct((B, _PAD_D), jnp.float32),
        scratch_types=[
            pltpu.VMEM((bpw,), jnp.int32),
            pltpu.VMEM((bpw, _PAD_D), jnp.float32),
            pltpu.SemaphoreType.DMA,
        ],
    )
    def gather_kernel(table_hbm, idx_hbm, out_hbm, idx_v, rows_v, sem):
        wid = lax.axis_index("s") * info.num_cores + lax.axis_index("c")
        base = wid * bpw
        pltpu.sync_copy(idx_hbm.at[pl.ds(base, bpw)], idx_v)
        pltpu.async_copy(table_hbm.at[idx_v], rows_v, sem).wait()
        pltpu.sync_copy(rows_v, out_hbm.at[pl.ds(base, bpw)])

    return gather_kernel(table, idx)


def _topk_body(pos_ref, sup_ref, out_ref, d2_ref):
    n_chunks = _N // _TOPK_C
    s0 = sup_ref[:, 0:1]
    s1 = sup_ref[:, 1:2]
    s2 = sup_ref[:, 2:3]

    bl = lax.broadcasted_iota(jnp.int32, (_TOPK_BS, _TOPK_C), 1)

    def build(c, carry):
        sl = pl.ds(c * _TOPK_C, _TOPK_C)
        p0 = pos_ref[0:1, sl]
        p1 = pos_ref[1:2, sl]
        p2 = pos_ref[2:3, sl]
        t0 = s0 - p0
        t1 = s1 - p1
        t2 = s2 - p2
        d2 = (t0 * t0 + t1 * t1) + t2 * t2
        cid = jax.lax.shift_right_logical(bl, 9) + (c * (_TOPK_C // _TOPK_CH))
        bits = jax.lax.bitcast_convert_type(d2 + 1.0, jnp.int32)
        keys = jax.lax.bitwise_or(jax.lax.bitwise_and(bits, -128), cid)
        d2_ref[:, sl] = jax.lax.bitcast_convert_type(keys, jnp.float32)
        return carry

    lax.fori_loop(0, n_chunks, build, 0)

    lane_k = lax.broadcasted_iota(jnp.int32, (_TOPK_BS, _K), 1)
    big = jnp.float32(jnp.inf)
    ch = _TOPK_CH
    n_ch2 = _N // ch
    lane_ch = lax.broadcasted_iota(jnp.int32, (_TOPK_BS, ch), 1)

    def extract(t, carry):
        pi, acc = carry

        def scan_chunk(c4, av):
            for u in range(8):
                c = c4 * 8 + u
                sl = pl.ds(c * ch, ch)
                dc = d2_ref[:, sl]
                dcm = jnp.where(lane_ch == (pi - c * ch)[:, None], big, dc)
                d2_ref[:, sl] = dcm
                av = jnp.minimum(av, dcm)
            return av

        av0 = jnp.full((_TOPK_BS, ch), big, jnp.float32)
        av = lax.fori_loop(0, n_ch2 // 8, scan_chunk, av0)
        mv = jnp.min(av, axis=1)
        li = jnp.min(jnp.where(av == mv[:, None], lane_ch, _N), axis=1)
        cw = jax.lax.bitwise_and(
            jax.lax.bitcast_convert_type(mv, jnp.int32), 127)
        bi = cw * ch + li
        acc = jnp.where(lane_k == t, bi[:, None], acc)
        return bi, acc

    pi0 = jnp.full((_TOPK_BS,), -1, jnp.int32)
    acc0 = jnp.zeros((_TOPK_BS, _K), jnp.int32)
    _, idxs = lax.fori_loop(0, _K, extract, (pi0, acc0))
    out_ref[...] = idxs


def _topk(pos_t, sup16):
    grid = _S // _TOPK_BS
    return pl.pallas_call(
        _topk_body,
        grid=(grid,),
        in_specs=[
            pl.BlockSpec((3, _N), lambda i: (0, 0)),
            pl.BlockSpec((_TOPK_BS, _PAD_D), lambda i: (i, 0)),
        ],
        out_specs=pl.BlockSpec((_TOPK_BS, _K), lambda i: (i, 0)),
        out_shape=jax.ShapeDtypeStruct((_S, _K), jnp.int32),
        scratch_shapes=[pltpu.VMEM((_TOPK_BS, _N), jnp.float32)],
    )(pos_t, sup16)


def _sincos_block(vals, widths, half):
    R = vals[0].shape[0]
    nb = len(vals)
    fb = jnp.concatenate(
        [jnp.broadcast_to(v, (R, half)) for v in vals], axis=1)
    ji = lax.broadcasted_iota(jnp.int32, (1, nb * half), 1)
    jm = (ji % half).astype(jnp.float32)
    om = 1.0 / jnp.exp((jm / half) * _LOG1E4)
    ang = fb * om
    sn = jnp.sin(ang)
    cs = jnp.cos(ang)
    parts = []
    for c in range(nb):
        parts.append(sn[:, c * half:(c + 1) * half])
        parts.append(cs[:, c * half:(c + 1) * half])
    if widths > 2 * half * nb:
        parts.append(jnp.zeros((R, widths - 2 * half * nb), jnp.float32))
    return jnp.concatenate(parts, axis=1)


def _mlp_body(nbr_ref, sup_ref, w1_ref, b1_ref, w2_ref, b2_ref, wp_ref,
              bp_ref, out_ref):
    R, BSUP = _MLP_ROWS, _MLP_SUP
    hi = lax.Precision.HIGHEST
    nbr = nbr_ref[...]
    sup = sup_ref[...]

    r_iota = lax.broadcasted_iota(jnp.int32, (R, BSUP), 0)
    s_iota = lax.broadcasted_iota(jnp.int32, (R, BSUP), 1)
    expand = (r_iota // _K == s_iota).astype(jnp.float32)
    sup_rows = lax.dot_general(expand, sup, (((1,), (0,)), ((), ())),
                               precision=hi)
    rel = nbr - sup_rows
    rsq = rel * rel
    d2 = (rsq[:, 0:1] + rsq[:, 1:2]) + rsq[:, 2:3]
    d = jnp.sqrt(d2 + 1e-12)

    emb = _sincos_block([rel[:, 0:1], rel[:, 1:2], rel[:, 2:3], d], _HID, 32)
    h = jax.nn.gelu(
        lax.dot_general(emb, w1_ref[...], (((1,), (0,)), ((), ()))) + b1_ref[...])
    msg = lax.dot_general(h, w2_ref[...], (((1,), (0,)), ((), ()))) + b2_ref[...]

    rp = lax.broadcasted_iota(jnp.int32, (BSUP, R), 1)
    sp = lax.broadcasted_iota(jnp.int32, (BSUP, R), 0)
    pool = jnp.where(rp // _K == sp, jnp.float32(1.0 / _K), jnp.float32(0.0))
    agg = lax.dot_general(pool, msg, (((1,), (0,)), ((), ())), precision=hi)

    spe = _sincos_block([sup[:, 0:1], sup[:, 1:2], sup[:, 2:3]], _HID, 42)
    out = (lax.dot_general(agg, wp_ref[0:_HID, :], (((1,), (0,)), ((), ())))
           + lax.dot_general(spe, wp_ref[_HID:2 * _HID, :],
                             (((1,), (0,)), ((), ())))
           + bp_ref[...])
    out_ref[0] = out


def _mlp(nbr16, sup16, W1, b1, W2, b2, Wp, bp):
    grid = (_S * _K) // _MLP_ROWS
    full = lambda i: (0, 0)
    return pl.pallas_call(
        _mlp_body,
        grid=(grid,),
        in_specs=[
            pl.BlockSpec((_MLP_ROWS, _PAD_D), lambda i: (i, 0)),
            pl.BlockSpec((_MLP_SUP, _PAD_D), lambda i: (i, 0)),
            pl.BlockSpec((_HID, _HID), full),
            pl.BlockSpec((1, _HID), full),
            pl.BlockSpec((_HID, _HID), full),
            pl.BlockSpec((1, _HID), full),
            pl.BlockSpec((2 * _HID, _HID), full),
            pl.BlockSpec((1, _HID), full),
        ],
        out_specs=pl.BlockSpec((1, _MLP_SUP, _HID), lambda i: (0, i, 0)),
        out_shape=jax.ShapeDtypeStruct((1, _S, _HID), jnp.float32),
    )(nbr16, sup16, W1, b1, W2, b2, Wp, bp)


def kernel(positions, supernode_indices, W1, b1, W2, b2, Wp, bp):
    pos_pad = jnp.pad(positions, ((0, 0), (0, _PAD_D - 3)))
    sidx = supernode_indices.astype(jnp.int32)
    sup16 = _sc_gather_rows(pos_pad, sidx)
    pos_t = positions.T
    nbr_idx = _topk(pos_t, sup16)
    nbr16 = _sc_gather_rows(pos_pad, nbr_idx.reshape(-1))
    return _mlp(nbr16, sup16, W1, b1.reshape(1, -1), W2, b2.reshape(1, -1),
                Wp, bp.reshape(1, -1))

# --- scband reference (transcript-rebuilt; emitter-appended) ---
"""Pipeline reference for scband-supernode-pooling-18588618457315 (READ-ONLY COPY).

The authoritative reference and input builder live on the scoring server;
editing this copy changes nothing except your own understanding.
"""

import jax, jax.numpy as jnp
import numpy as np

HIDDEN_DIM = 256
K_NEIGHBORS = 16
NDIM = 3
NUM_POINTS = 32768
NUM_SUPERNODES = 1024


def sincos_embed(coords, dim, ndim):
    # ContinuousSincosEmbed: per-coordinate sin/cos frequency embedding, zero-padded to dim
    dim_per = dim // ndim
    half = dim_per // 2
    omega = 1.0 / (10000.0 ** (jnp.arange(half, dtype=jnp.float32) / half))
    out = coords[..., :, None] * omega  # [..., ndim, half]
    emb = jnp.concatenate([jnp.sin(out), jnp.cos(out)], axis=-1)  # [..., ndim, 2*half]
    emb = emb.reshape(coords.shape[:-1] + (ndim * 2 * half,))
    pad = dim - ndim * 2 * half
    if pad > 0:
        pad_widths = [(0, 0)] * (emb.ndim - 1) + [(0, pad)]
        emb = jnp.pad(emb, pad_widths)
    return emb


def setup_inputs(seed: int = 0) -> dict:
    key = jax.random.key(seed)
    k1, k2, k3, k4, k5, k6, k7, k8 = jax.random.split(key, 8)
    positions = jax.random.uniform(k1, (NUM_POINTS, NDIM), dtype=jnp.float32) * 10.0
    supernode_indices = jax.random.randint(k2, (NUM_SUPERNODES,), 0, NUM_POINTS, dtype=jnp.int64 if jax.config.read('jax_enable_x64') else jnp.int32)
    W1 = jax.random.normal(k3, (HIDDEN_DIM, HIDDEN_DIM), dtype=jnp.float32) * 0.02
    b1 = jnp.zeros((HIDDEN_DIM,), dtype=jnp.float32)
    W2 = jax.random.normal(k4, (HIDDEN_DIM, HIDDEN_DIM), dtype=jnp.float32) * 0.02
    b2 = jnp.zeros((HIDDEN_DIM,), dtype=jnp.float32)
    Wp = jax.random.normal(k5, (2 * HIDDEN_DIM, HIDDEN_DIM), dtype=jnp.float32) * 0.02
    bp = jnp.zeros((HIDDEN_DIM,), dtype=jnp.float32)
    return {"positions": positions, "supernode_indices": supernode_indices,
            "W1": W1, "b1": b1, "W2": W2, "b2": b2, "Wp": Wp, "bp": bp}


def reference(positions, supernode_indices, W1, b1, W2, b2, Wp, bp):
    # gather supernode positions
    sup_pos = jnp.take(positions, supernode_indices, axis=0)  # [S, ndim]
    # dense pairwise squared distances [S, N] (k-NN neighbor selection)
    diff = sup_pos[:, None, :] - positions[None, :, :]
    dist2 = jnp.sum(diff * diff, axis=-1)  # [S, N]
    _, nbr_idx = jax.lax.top_k(-dist2, K_NEIGHBORS)  # [S, k]
    nbr_pos = jnp.take(positions, nbr_idx, axis=0)  # [S, k, ndim]
    # relpos mode: relative positions + distance -> (ndim+1)-dim sincos embed
    rel = nbr_pos - sup_pos[:, None, :]
    d = jnp.sqrt(jnp.sum(rel * rel, axis=-1, keepdims=True) + 1e-12)
    feat = jnp.concatenate([rel, d], axis=-1)  # [S, k, ndim+1]
    emb = sincos_embed(feat, HIDDEN_DIM, NDIM + 1)  # [S, k, H]
    # message MLP
    h = jax.nn.gelu(emb @ W1 + b1)
    msg = h @ W2 + b2  # [S, k, H]
    # aggregate messages (mean over neighbors)
    agg = jnp.mean(msg, axis=1)  # [S, H]
    # supernode absolute position embedding
    spe = sincos_embed(sup_pos, HIDDEN_DIM, NDIM)  # [S, H]
    combined = jnp.concatenate([agg, spe], axis=-1)  # [S, 2H]
    out = combined @ Wp + bp  # [S, H]
    return out[None, :, :]  # [1, S, H]

if __name__ == "__main__":
    import jax
    _d = setup_inputs()
    print(jax.jit(kernel)(*tuple(_d.values())))

</pallas_src>

<mosaic_0001>
#map = affine_map<(d0, d1) -> (0, 0)>
#map1 = affine_map<(d0, d1) -> (0)>
module attributes {stable_mosaic.version = 14 : i64} {
  func.func @gather_kernel(%arg0: i32, %arg1: i32, %arg2: memref<32768x16xf32, #tpu.memory_space<hbm>>, %arg3: memref<16384xi32, #tpu.memory_space<hbm>>, %arg4: memref<16384x16xf32, #tpu.memory_space<hbm>>, %arg5: memref<512xi32, #tpu.memory_space<vmem>>, %arg6: memref<512x16xf32, #tpu.memory_space<vmem>>, %arg7: memref<!tpu.dma_semaphore, #tpu.memory_space<semaphore_mem>>) attributes {dimension_semantics = [#tpu.dimension_semantics<core_parallel>, #tpu.dimension_semantics<subcore_parallel>], iteration_bounds = array<i64: 2, 16>, scalar_prefetch = 0 : i64, scratch_operands = 3 : i64, tpu.core_type = #tpu.core_type<sc_vector_subcore>, window_params = [{transform_indices = #map}, {transform_indices = #map1}, {transform_indices = #map}]} {
    %mul3A = arith.constant 2 : i32
    %mul3A_0 = arith.muli %arg1, %mul3A : i32
    %add3A = arith.addi %mul3A_0, %arg0 : i32
    %mul3A_1 = arith.constant 512 : i32
    %mul3A_2 = arith.muli %add3A, %mul3A_1 : i32
    "tpu.region"() ({
      %run_scoped3A = tpu.sem_alloc : memref<!tpu.dma_semaphore, #tpu.memory_space<semaphore_mem>>
      %dma_start3A_7 = tpu.memref_slice %arg3[%mul3A_2] : memref<16384xi32, #tpu.memory_space<hbm>> -> memref<512xi32, #tpu.memory_space<hbm>>
      %dma_start3A_8 = tpu.memref_slice %arg3[%mul3A_2] : memref<16384xi32, #tpu.memory_space<hbm>> -> memref<512xi32, #tpu.memory_space<hbm>>
      tpu.enqueue_dma source(%dma_start3A_8 : memref<512xi32, #tpu.memory_space<hbm>>) target(%arg5 : memref<512xi32, #tpu.memory_space<vmem>>) target_semaphore(%run_scoped3A : memref<!tpu.dma_semaphore, #tpu.memory_space<semaphore_mem>>)
      %dma_wait3A_9 = tpu.memref_slice %arg3[%mul3A_2] : memref<16384xi32, #tpu.memory_space<hbm>> -> memref<512xi32, #tpu.memory_space<hbm>>
      %dma_wait3A_10 = tpu.memref_slice %arg3[%mul3A_2] : memref<16384xi32, #tpu.memory_space<hbm>> -> memref<512xi32, #tpu.memory_space<hbm>>
      tpu.wait_dma2 semaphore(%run_scoped3A : memref<!tpu.dma_semaphore, #tpu.memory_space<semaphore_mem>>) src(%dma_wait3A_10 : memref<512xi32, #tpu.memory_space<hbm>>) dst(%arg5 : memref<512xi32, #tpu.memory_space<vmem>>)
      tpu.yield
    }) : () -> ()
    %dma_start3A = arith.constant 0 : i32
    %dma_start3A_3 = arith.constant 0 : i32
    %dma_start3A_4 = tpu.memref_slice %arg2[%dma_start3A, %dma_start3A_3] : memref<32768x16xf32, #tpu.memory_space<hbm>> -> memref<32768x16xf32, #tpu.memory_space<hbm>>
    tpu.enqueue_indirect_dma source(%dma_start3A_4 : memref<32768x16xf32, #tpu.memory_space<hbm>>) target(%arg6 : memref<512x16xf32, #tpu.memory_space<vmem>>) offsets(%arg5 : memref<512xi32, #tpu.memory_space<vmem>>) semaphore(%arg7 : memref<!tpu.dma_semaphore, #tpu.memory_space<semaphore_mem>>)
    %dma_wait3A = arith.constant 0 : i32
    %dma_wait3A_5 = arith.constant 0 : i32
    %dma_wait3A_6 = tpu.memref_slice %arg2[%dma_wait3A, %dma_wait3A_5] : memref<32768x16xf32, #tpu.memory_space<hbm>> -> memref<32768x16xf32, #tpu.memory_space<hbm>>
    tpu.wait_indirect_dma semaphore(%arg7 : memref<!tpu.dma_semaphore, #tpu.memory_space<semaphore_mem>>) src(%dma_wait3A_6 : memref<32768x16xf32, #tpu.memory_space<hbm>>) dst(%arg6 : memref<512x16xf32, #tpu.memory_space<vmem>>)
    "tpu.region"() ({
      %run_scoped3A = tpu.sem_alloc : memref<!tpu.dma_semaphore, #tpu.memory_space<semaphore_mem>>
      %dma_start3A_7 = arith.constant 0 : i32
      %dma_start3A_8 = tpu.memref_slice %arg4[%mul3A_2, %dma_start3A_7] : memref<16384x16xf32, #tpu.memory_space<hbm>> -> memref<512x16xf32, #tpu.memory_space<hbm>>
      %dma_start3A_9 = arith.constant 0 : i32
      %dma_start3A_10 = tpu.memref_slice %arg4[%mul3A_2, %dma_start3A_9] : memref<16384x16xf32, #tpu.memory_space<hbm>> -> memref<512x16xf32, #tpu.memory_space<hbm>>
      tpu.enqueue_dma source(%arg6 : memref<512x16xf32, #tpu.memory_space<vmem>>) target(%dma_start3A_10 : memref<512x16xf32, #tpu.memory_space<hbm>>) target_semaphore(%run_scoped3A : memref<!tpu.dma_semaphore, #tpu.memory_space<semaphore_mem>>)
      %dma_wait3A_11 = arith.constant 0 : i32
      %dma_wait3A_12 = tpu.memref_slice %arg4[%mul3A_2, %dma_wait3A_11] : memref<16384x16xf32, #tpu.memory_space<hbm>> -> memref<512x16xf32, #tpu.memory_space<hbm>>
      %dma_wait3A_13 = arith.constant 0 : i32
      %dma_wait3A_14 = tpu.memref_slice %arg4[%mul3A_2, %dma_wait3A_13] : memref<16384x16xf32, #tpu.memory_space<hbm>> -> memref<512x16xf32, #tpu.memory_space<hbm>>
      tpu.wait_dma2 semaphore(%run_scoped3A : memref<!tpu.dma_semaphore, #tpu.memory_space<semaphore_mem>>) src(%arg6 : memref<512x16xf32, #tpu.memory_space<vmem>>) dst(%dma_wait3A_14 : memref<512x16xf32, #tpu.memory_space<hbm>>)
      tpu.yield
    }) : () -> ()
    return
  }
}

#map = affine_map<(d0, d1) -> (0, 0)>
#map1 = affine_map<(d0, d1) -> (0)>
module attributes {stable_mosaic.version = 14 : i64} {
  func.func @gather_kernel(%arg0: i32, %arg1: i32, %arg2: memref<32768x16xf32, #tpu.memory_space<hbm>>, %arg3: memref<1024xi32, #tpu.memory_space<hbm>>, %arg4: memref<1024x16xf32, #tpu.memory_space<hbm>>, %arg5: memref<32xi32, #tpu.memory_space<vmem>>, %arg6: memref<32x16xf32, #tpu.memory_space<vmem>>, %arg7: memref<!tpu.dma_semaphore, #tpu.memory_space<semaphore_mem>>) attributes {dimension_semantics = [#tpu.dimension_semantics<core_parallel>, #tpu.dimension_semantics<subcore_parallel>], iteration_bounds = array<i64: 2, 16>, scalar_prefetch = 0 : i64, scratch_operands = 3 : i64, tpu.core_type = #tpu.core_type<sc_vector_subcore>, window_params = [{transform_indices = #map}, {transform_indices = #map1}, {transform_indices = #map}]} {
    %mul3A = arith.constant 2 : i32
    %mul3A_0 = arith.muli %arg1, %mul3A : i32
    %add3A = arith.addi %mul3A_0, %arg0 : i32
    %mul3A_1 = arith.constant 32 : i32
    %mul3A_2 = arith.muli %add3A, %mul3A_1 : i32
    "tpu.region"() ({
      %run_scoped3A = tpu.sem_alloc : memref<!tpu.dma_semaphore, #tpu.memory_space<semaphore_mem>>
      %dma_start3A_7 = tpu.memref_slice %arg3[%mul3A_2] : memref<1024xi32, #tpu.memory_space<hbm>> -> memref<32xi32, #tpu.memory_space<hbm>>
      %dma_start3A_8 = tpu.memref_slice %arg3[%mul3A_2] : memref<1024xi32, #tpu.memory_space<hbm>> -> memref<32xi32, #tpu.memory_space<hbm>>
      tpu.enqueue_dma source(%dma_start3A_8 : memref<32xi32, #tpu.memory_space<hbm>>) target(%arg5 : memref<32xi32, #tpu.memory_space<vmem>>) target_semaphore(%run_scoped3A : memref<!tpu.dma_semaphore, #tpu.memory_space<semaphore_mem>>)
      %dma_wait3A_9 = tpu.memref_slice %arg3[%mul3A_2] : memref<1024xi32, #tpu.memory_space<hbm>> -> memref<32xi32, #tpu.memory_space<hbm>>
      %dma_wait3A_10 = tpu.memref_slice %arg3[%mul3A_2] : memref<1024xi32, #tpu.memory_space<hbm>> -> memref<32xi32, #tpu.memory_space<hbm>>
      tpu.wait_dma2 semaphore(%run_scoped3A : memref<!tpu.dma_semaphore, #tpu.memory_space<semaphore_mem>>) src(%dma_wait3A_10 : memref<32xi32, #tpu.memory_space<hbm>>) dst(%arg5 : memref<32xi32, #tpu.memory_space<vmem>>)
      tpu.yield
    }) : () -> ()
    %dma_start3A = arith.constant 0 : i32
    %dma_start3A_3 = arith.constant 0 : i32
    %dma_start3A_4 = tpu.memref_slice %arg2[%dma_start3A, %dma_start3A_3] : memref<32768x16xf32, #tpu.memory_space<hbm>> -> memref<32768x16xf32, #tpu.memory_space<hbm>>
    tpu.enqueue_indirect_dma source(%dma_start3A_4 : memref<32768x16xf32, #tpu.memory_space<hbm>>) target(%arg6 : memref<32x16xf32, #tpu.memory_space<vmem>>) offsets(%arg5 : memref<32xi32, #tpu.memory_space<vmem>>) semaphore(%arg7 : memref<!tpu.dma_semaphore, #tpu.memory_space<semaphore_mem>>)
    %dma_wait3A = arith.constant 0 : i32
    %dma_wait3A_5 = arith.constant 0 : i32
    %dma_wait3A_6 = tpu.memref_slice %arg2[%dma_wait3A, %dma_wait3A_5] : memref<32768x16xf32, #tpu.memory_space<hbm>> -> memref<32768x16xf32, #tpu.memory_space<hbm>>
    tpu.wait_indirect_dma semaphore(%arg7 : memref<!tpu.dma_semaphore, #tpu.memory_space<semaphore_mem>>) src(%dma_wait3A_6 : memref<32768x16xf32, #tpu.memory_space<hbm>>) dst(%arg6 : memref<32x16xf32, #tpu.memory_space<vmem>>)
    "tpu.region"() ({
      %run_scoped3A = tpu.sem_alloc : memref<!tpu.dma_semaphore, #tpu.memory_space<semaphore_mem>>
      %dma_start3A_7 = arith.constant 0 : i32
      %dma_start3A_8 = tpu.memref_slice %arg4[%mul3A_2, %dma_start3A_7] : memref<1024x16xf32, #tpu.memory_space<hbm>> -> memref<32x16xf32, #tpu.memory_space<hbm>>
      %dma_start3A_9 = arith.constant 0 : i32
      %dma_start3A_10 = tpu.memref_slice %arg4[%mul3A_2, %dma_start3A_9] : memref<1024x16xf32, #tpu.memory_space<hbm>> -> memref<32x16xf32, #tpu.memory_space<hbm>>
      tpu.enqueue_dma source(%arg6 : memref<32x16xf32, #tpu.memory_space<vmem>>) target(%dma_start3A_10 : memref<32x16xf32, #tpu.memory_space<hbm>>) target_semaphore(%run_scoped3A : memref<!tpu.dma_semaphore, #tpu.memory_space<semaphore_mem>>)
      %dma_wait3A_11 = arith.constant 0 : i32
      %dma_wait3A_12 = tpu.memref_slice %arg4[%mul3A_2, %dma_wait3A_11] : memref<1024x16xf32, #tpu.memory_space<hbm>> -> memref<32x16xf32, #tpu.memory_space<hbm>>
      %dma_wait3A_13 = arith.constant 0 : i32
      %dma_wait3A_14 = tpu.memref_slice %arg4[%mul3A_2, %dma_wait3A_13] : memref<1024x16xf32, #tpu.memory_space<hbm>> -> memref<32x16xf32, #tpu.memory_space<hbm>>
      tpu.wait_dma2 semaphore(%run_scoped3A : memref<!tpu.dma_semaphore, #tpu.memory_space<semaphore_mem>>) src(%arg6 : memref<32x16xf32, #tpu.memory_space<vmem>>) dst(%dma_wait3A_14 : memref<32x16xf32, #tpu.memory_space<hbm>>)
      tpu.yield
    }) : () -> ()
    return
  }
}

module attributes {stable_mosaic.version = 14 : i64} {
  func.func @_topk_body(%arg0: i32, %arg1: memref<3x32768xf32, #tpu.memory_space<vmem>>, %arg2: memref<64x16xf32, #tpu.memory_space<vmem>>, %arg3: memref<64x16xi32, #tpu.memory_space<vmem>>, %arg4: memref<64x32768xf32, #tpu.memory_space<vmem>>) attributes {dimension_semantics = [#tpu.dimension_semantics<arbitrary>], iteration_bounds = array<i64: 16>, scalar_prefetch = 0 : i64, scratch_operands = 1 : i64, tpu.core_type = #tpu.core_type<tc>, window_params = [{pipeline_mode = #tpu.pipeline_mode<synchronous>, transform_indices = @transform_0, window_bounds = array<i64: 3, 32768>}, {transform_indices = @transform_1, window_bounds = array<i64: 64, 16>}, {transform_indices = @transform_2, window_bounds = array<i64: 64, 16>}]} {
    %get3A = arith.constant 0 : index
    %get3A_0 = arith.constant 0 : index
    %get3A_1 = vector.load %arg2[%get3A, %get3A_0] : memref<64x16xf32, #tpu.memory_space<vmem>>, vector<64x1xf32>
    %get3A_2 = arith.constant 0 : index
    %get3A_3 = arith.constant 1 : index
    %get3A_4 = vector.load %arg2[%get3A_2, %get3A_3] : memref<64x16xf32, #tpu.memory_space<vmem>>, vector<64x1xf32>
    %get3A_5 = arith.constant 0 : index
    %get3A_6 = arith.constant 2 : index
    %get3A_7 = vector.load %arg2[%get3A_5, %get3A_6] : memref<64x16xf32, #tpu.memory_space<vmem>>, vector<64x1xf32>
    %iota3A = tpu.iota {dimensions = array<i32: 1>} : vector<64x2048xi32>
    %scan3A = arith.constant 0 : i32
    %scan3A_8 = arith.constant 16 : i32
    %scan3A_9 = arith.addi %scan3A, %scan3A_8 : i32
    %scan3A_10 = arith.constant 1 : i32
    scf.for %scan3A_26 = %scan3A to %scan3A_9 step %scan3A_10  : i32 {
      %mul3A = arith.constant 2048 : i32
      %mul3A_27 = arith.muli %scan3A_26, %mul3A : i32
      %get3A_28 = arith.constant 0 : index
      %get3A_29 = arith.index_cast %mul3A_27 : i32 to index
      %get3A_30 = vector.load %arg1[%get3A_28, %get3A_29] : memref<3x32768xf32, #tpu.memory_space<vmem>>, vector<1x2048xf32>
      %get3A_31 = arith.constant 1 : index
      %get3A_32 = arith.index_cast %mul3A_27 : i32 to index
      %get3A_33 = vector.load %arg1[%get3A_31, %get3A_32] : memref<3x32768xf32, #tpu.memory_space<vmem>>, vector<1x2048xf32>
      %get3A_34 = arith.constant 2 : index
      %get3A_35 = arith.index_cast %mul3A_27 : i32 to index
      %get3A_36 = vector.load %arg1[%get3A_34, %get3A_35] : memref<3x32768xf32, #tpu.memory_space<vmem>>, vector<1x2048xf32>
      %sub3A = vector.broadcast %get3A_1 : vector<64x1xf32> to vector<64x2048xf32>
      %sub3A_37 = vector.broadcast %get3A_30 : vector<1x2048xf32> to vector<64x2048xf32>
      %sub3A_38 = arith.subf %sub3A, %sub3A_37 : vector<64x2048xf32>
      %sub3A_39 = vector.broadcast %get3A_4 : vector<64x1xf32> to vector<64x2048xf32>
      %sub3A_40 = vector.broadcast %get3A_33 : vector<1x2048xf32> to vector<64x2048xf32>
      %sub3A_41 = arith.subf %sub3A_39, %sub3A_40 : vector<64x2048xf32>
      %sub3A_42 = vector.broadcast %get3A_7 : vector<64x1xf32> to vector<64x2048xf32>
      %sub3A_43 = vector.broadcast %get3A_36 : vector<1x2048xf32> to vector<64x2048xf32>
      %sub3A_44 = arith.subf %sub3A_42, %sub3A_43 : vector<64x2048xf32>
      %mul3A_45 = arith.mulf %sub3A_38, %sub3A_38 : vector<64x2048xf32>
      %mul3A_46 = arith.mulf %sub3A_41, %sub3A_41 : vector<64x2048xf32>
      %add3A = arith.addf %mul3A_45, %mul3A_46 : vector<64x2048xf32>
      %mul3A_47 = arith.mulf %sub3A_44, %sub3A_44 : vector<64x2048xf32>
      %add3A_48 = arith.addf %add3A, %mul3A_47 : vector<64x2048xf32>
      %shift_right_logical3A = arith.constant 9 : i32
      %shift_right_logical3A_49 = vector.broadcast %shift_right_logical3A : i32 to vector<64x2048xi32>
      %shift_right_logical3A_50 = arith.shrui %iota3A, %shift_right_logical3A_49 : vector<64x2048xi32>
      %mul3A_51 = arith.constant 4 : i32
      %mul3A_52 = arith.muli %scan3A_26, %mul3A_51 : i32
      %add3A_53 = vector.broadcast %mul3A_52 : i32 to vector<64x2048xi32>
      %add3A_54 = arith.addi %shift_right_logical3A_50, %add3A_53 : vector<64x2048xi32>
      %add3A_55 = arith.constant 1.000000e+00 : f32
      %add3A_56 = vector.broadcast %add3A_55 : f32 to vector<64x2048xf32>
      %add3A_57 = arith.addf %add3A_48, %add3A_56 : vector<64x2048xf32>
      %bitcast_convert_type3A = tpu.bitcast %add3A_57 : vector<64x2048xf32> -> vector<64x2048xi32>
      %and3A = arith.constant -128 : i32
      %and3A_58 = vector.broadcast %and3A : i32 to vector<64x2048xi32>
      %and3A_59 = arith.andi %bitcast_convert_type3A, %and3A_58 : vector<64x2048xi32>
      %or3A = arith.ori %and3A_59, %add3A_54 : vector<64x2048xi32>
      %bitcast_convert_type3A_60 = tpu.bitcast %or3A : vector<64x2048xi32> -> vector<64x2048xf32>
      %swap3A_61 = arith.constant 0 : index
      %swap3A_62 = arith.index_cast %mul3A_27 : i32 to index
      %swap3A_63 = vector.load %arg4[%swap3A_61, %swap3A_62] : memref<64x32768xf32, #tpu.memory_space<vmem>>, vector<64x2048xf32>
      tpu.vector_store %arg4[%swap3A_61, %swap3A_62], %bitcast_convert_type3A_60 {strides = array<i32>} : memref<64x32768xf32, #tpu.memory_space<vmem>>, vector<64x2048xf32>,
    }
    %scan3A_11 = arith.constant 16 : i32
    %iota3A_12 = tpu.iota {dimensions = array<i32: 1>} : vector<64x16xi32>
    %iota3A_13 = tpu.iota {dimensions = array<i32: 1>} : vector<64x512xi32>
    %broadcast_in_dim3A = arith.constant -1 : i32
    %broadcast_in_dim3A_14 = vector.broadcast %broadcast_in_dim3A : i32 to vector<64xi32>
    %broadcast_in_dim3A_15 = arith.constant 0 : i32
    %broadcast_in_dim3A_16 = vector.broadcast %broadcast_in_dim3A_15 : i32 to vector<64x16xi32>
    %scan3A_17 = arith.constant 0x7F800000 : f32
    %scan3A_18 = arith.constant 0 : i32
    %scan3A_19 = arith.constant 16 : i32
    %scan3A_20 = arith.addi %scan3A_18, %scan3A_19 : i32
    %scan3A_21 = arith.constant 1 : i32
    %scan3A_22:2 = scf.for %scan3A_26 = %scan3A_18 to %scan3A_20 step %scan3A_21 iter_args(%scan3A_27 = %broadcast_in_dim3A_14, %scan3A_28 = %broadcast_in_dim3A_16) -> (vector<64xi32>, vector<64x16xi32>)  : i32 {
      %broadcast_in_dim3A_29 = vector.broadcast %scan3A_17 : f32 to vector<64x512xf32>
      %scan3A_30 = arith.constant 0 : i32
      %scan3A_31 = arith.constant 8 : i32
      %scan3A_32 = arith.addi %scan3A_30, %scan3A_31 : i32
      %scan3A_33 = arith.constant 1 : i32
      %scan3A_34 = scf.for %scan3A_52 = %scan3A_30 to %scan3A_32 step %scan3A_33 iter_args(%scan3A_53 = %broadcast_in_dim3A_29) -> (vector<64x512xf32>)  : i32 {
        %mul3A_54 = arith.constant 8 : i32
        %mul3A_55 = arith.muli %scan3A_52, %mul3A_54 : i32
        %add3A_56 = arith.constant 0 : i32
        %add3A_57 = arith.addi %mul3A_55, %add3A_56 : i32
        %mul3A_58 = arith.constant 512 : i32
        %mul3A_59 = arith.muli %add3A_57, %mul3A_58 : i32
        %get3A_60 = arith.constant 0 : index
        %get3A_61 = arith.index_cast %mul3A_59 : i32 to index
        %get3A_62 = vector.load %arg4[%get3A_60, %get3A_61] : memref<64x32768xf32, #tpu.memory_space<vmem>>, vector<64x512xf32>
        %mul3A_63 = arith.constant 512 : i32
        %mul3A_64 = arith.muli %add3A_57, %mul3A_63 : i32
        %sub3A = vector.broadcast %mul3A_64 : i32 to vector<64xi32>
        %sub3A_65 = arith.subi %scan3A_27, %sub3A : vector<64xi32>
        %broadcast_in_dim3A_66 = vector.shape_cast %sub3A_65 : vector<64xi32> to vector<64x1xi32>
        %eq3A_67 = vector.broadcast %broadcast_in_dim3A_66 : vector<64x1xi32> to vector<64x512xi32>
        %eq3A_68 = arith.cmpi eq, %iota3A_13, %eq3A_67 : vector<64x512xi32>
        %broadcast_in_dim3A_69 = vector.broadcast %scan3A_17 : f32 to vector<64x512xf32>
        %select_n3A_70 = arith.select %eq3A_68, %broadcast_in_dim3A_69, %get3A_62 : vector<64x512xi1>, vector<64x512xf32>
        %swap3A_71 = arith.constant 0 : index
        %swap3A_72 = arith.index_cast %mul3A_59 : i32 to index
        %swap3A_73 = vector.load %arg4[%swap3A_71, %swap3A_72] : memref<64x32768xf32, #tpu.memory_space<vmem>>, vector<64x512xf32>
        tpu.vector_store %arg4[%swap3A_71, %swap3A_72], %select_n3A_70 {strides = array<i32>} : memref<64x32768xf32, #tpu.memory_space<vmem>>, vector<64x512xf32>,
        %min3A = arith.minimumf %scan3A_53, %select_n3A_70 : vector<64x512xf32>
        %mul3A_74 = arith.constant 8 : i32
        %mul3A_75 = arith.muli %scan3A_52, %mul3A_74 : i32
        %add3A_76 = arith.constant 1 : i32
        %add3A_77 = arith.addi %mul3A_75, %add3A_76 : i32
        %mul3A_78 = arith.constant 512 : i32
        %mul3A_79 = arith.muli %add3A_77, %mul3A_78 : i32
        %get3A_80 = arith.constant 0 : index
        %get3A_81 = arith.index_cast %mul3A_79 : i32 to index
        %get3A_82 = vector.load %arg4[%get3A_80, %get3A_81] : memref<64x32768xf32, #tpu.memory_space<vmem>>, vector<64x512xf32>
        %mul3A_83 = arith.constant 512 : i32
        %mul3A_84 = arith.muli %add3A_77, %mul3A_83 : i32
        %sub3A_85 = vector.broadcast %mul3A_84 : i32 to vector<64xi32>
        %sub3A_86 = arith.subi %scan3A_27, %sub3A_85 : vector<64xi32>
        %broadcast_in_dim3A_87 = vector.shape_cast %sub3A_86 : vector<64xi32> to vector<64x1xi32>
        %eq3A_88 = vector.broadcast %broadcast_in_dim3A_87 : vector<64x1xi32> to vector<64x512xi32>
        %eq3A_89 = arith.cmpi eq, %iota3A_13, %eq3A_88 : vector<64x512xi32>
        %broadcast_in_dim3A_90 = vector.broadcast %scan3A_17 : f32 to vector<64x512xf32>
        %select_n3A_91 = arith.select %eq3A_89, %broadcast_in_dim3A_90, %get3A_82 : vector<64x512xi1>, vector<64x512xf32>
        %swap3A_92 = arith.constant 0 : index
        %swap3A_93 = arith.index_cast %mul3A_79 : i32 to index
        %swap3A_94 = vector.load %arg4[%swap3A_92, %swap3A_93] : memref<64x32768xf32, #tpu.memory_space<vmem>>, vector<64x512xf32>
        tpu.vector_store %arg4[%swap3A_92, %swap3A_93], %select_n3A_91 {strides = array<i32>} : memref<64x32768xf32, #tpu.memory_space<vmem>>, vector<64x512xf32>,
        %min3A_95 = arith.minimumf %min3A, %select_n3A_91 : vector<64x512xf32>
        %mul3A_96 = arith.constant 8 : i32
        %mul3A_97 = arith.muli %scan3A_52, %mul3A_96 : i32
        %add3A_98 = arith.constant 2 : i32
        %add3A_99 = arith.addi %mul3A_97, %add3A_98 : i32
        %mul3A_100 = arith.constant 512 : i32
        %mul3A_101 = arith.muli %add3A_99, %mul3A_100 : i32
        %get3A_102 = arith.constant 0 : index
        %get3A_103 = arith.index_cast %mul3A_101 : i32 to index
        %get3A_104 = vector.load %arg4[%get3A_102, %get3A_103] : memref<64x32768xf32, #tpu.memory_space<vmem>>, vector<64x512xf32>
        %mul3A_105 = arith.constant 512 : i32
        %mul3A_106 = arith.muli %add3A_99, %mul3A_105 : i32
        %sub3A_107 = vector.broadcast %mul3A_106 : i32 to vector<64xi32>
        %sub3A_108 = arith.subi %scan3A_27, %sub3A_107 : vector<64xi32>
        %broadcast_in_dim3A_109 = vector.shape_cast %sub3A_108 : vector<64xi32> to vector<64x1xi32>
        %eq3A_110 = vector.broadcast %broadcast_in_dim3A_109 : vector<64x1xi32> to vector<64x512xi32>
        %eq3A_111 = arith.cmpi eq, %iota3A_13, %eq3A_110 : vector<64x512xi32>
        %broadcast_in_dim3A_112 = vector.broadcast %scan3A_17 : f32 to vector<64x512xf32>
        %select_n3A_113 = arith.select %eq3A_111, %broadcast_in_dim3A_112, %get3A_104 : vector<64x512xi1>, vector<64x512xf32>
        %swap3A_114 = arith.constant 0 : index
        %swap3A_115 = arith.index_cast %mul3A_101 : i32 to index
        %swap3A_116 = vector.load %arg4[%swap3A_114, %swap3A_115] : memref<64x32768xf32, #tpu.memory_space<vmem>>, vector<64x512xf32>
        tpu.vector_store %arg4[%swap3A_114, %swap3A_115], %select_n3A_113 {strides = array<i32>} : memref<64x32768xf32, #tpu.memory_space<vmem>>, vector<64x512xf32>,
        %min3A_117 = arith.minimumf %min3A_95, %select_n3A_113 : vector<64x512xf32>
        %mul3A_118 = arith.constant 8 : i32
        %mul3A_119 = arith.muli %scan3A_52, %mul3A_118 : i32
        %add3A_120 = arith.constant 3 : i32
        %add3A_121 = arith.addi %mul3A_119, %add3A_120 : i32
        %mul3A_122 = arith.constant 512 : i32
        %mul3A_123 = arith.muli %add3A_121, %mul3A_122 : i32
        %get3A_124 = arith.constant 0 : index
        %get3A_125 = arith.index_cast %mul3A_123 : i32 to index
        %get3A_126 = vector.load %arg4[%get3A_124, %get3A_125] : memref<64x32768xf32, #tpu.memory_space<vmem>>, vector<64x512xf32>
        %mul3A_127 = arith.constant 512 : i32
        %mul3A_128 = arith.muli %add3A_121, %mul3A_127 : i32
        %sub3A_129 = vector.broadcast %mul3A_128 : i32 to vector<64xi32>
        %sub3A_130 = arith.subi %scan3A_27, %sub3A_129 : vector<64xi32>
        %broadcast_in_dim3A_131 = vector.shape_cast %sub3A_130 : vector<64xi32> to vector<64x1xi32>
        %eq3A_132 = vector.broadcast %broadcast_in_dim3A_131 : vector<64x1xi32> to vector<64x512xi32>
        %eq3A_133 = arith.cmpi eq, %iota3A_13, %eq3A_132 : vector<64x512xi32>
        %broadcast_in_dim3A_134 = vector.broadcast %scan3A_17 : f32 to vector<64x512xf32>
        %select_n3A_135 = arith.select %eq3A_133, %broadcast_in_dim3A_134, %get3A_126 : vector<64x512xi1>, vector<64x512xf32>
        %swap3A_136 = arith.constant 0 : index
        %swap3A_137 = arith.index_cast %mul3A_123 : i32 to index
        %swap3A_138 = vector.load %arg4[%swap3A_136, %swap3A_137] : memref<64x32768xf32, #tpu.memory_space<vmem>>, vector<64x512xf32>
        tpu.vector_store %arg4[%swap3A_136, %swap3A_137], %select_n3A_135 {strides = array<i32>} : memref<64x32768xf32, #tpu.memory_space<vmem>>, vector<64x512xf32>,
        %min3A_139 = arith.minimumf %min3A_117, %select_n3A_135 : vector<64x512xf32>
        %mul3A_140 = arith.constant 8 : i32
        %mul3A_141 = arith.muli %scan3A_52, %mul3A_140 : i32
        %add3A_142 = arith.constant 4 : i32
        %add3A_143 = arith.addi %mul3A_141, %add3A_142 : i32
        %mul3A_144 = arith.constant 512 : i32
        %mul3A_145 = arith.muli %add3A_143, %mul3A_144 : i32
        %get3A_146 = arith.constant 0 : index
        %get3A_147 = arith.index_cast %mul3A_145 : i32 to index
        %get3A_148 = vector.load %arg4[%get3A_146, %get3A_147] : memref<64x32768xf32, #tpu.memory_space<vmem>>, vector<64x512xf32>
        %mul3A_149 = arith.constant 512 : i32
        %mul3A_150 = arith.muli %add3A_143, %mul3A_149 : i32
        %sub3A_151 = vector.broadcast %mul3A_150 : i32 to vector<64xi32>
        %sub3A_152 = arith.subi %scan3A_27, %sub3A_151 : vector<64xi32>
        %broadcast_in_dim3A_153 = vector.shape_cast %sub3A_152 : vector<64xi32> to vector<64x1xi32>
        %eq3A_154 = vector.broadcast %broadcast_in_dim3A_153 : vector<64x1xi32> to vector<64x512xi32>
        %eq3A_155 = arith.cmpi eq, %iota3A_13, %eq3A_154 : vector<64x512xi32>
        %broadcast_in_dim3A_156 = vector.broadcast %scan3A_17 : f32 to vector<64x512xf32>
        %select_n3A_157 = arith.select %eq3A_155, %broadcast_in_dim3A_156, %get3A_148 : vector<64x512xi1>, vector<64x512xf32>
        %swap3A_158 = arith.constant 0 : index
        %swap3A_159 = arith.index_cast %mul3A_145 : i32 to index
        %swap3A_160 = vector.load %arg4[%swap3A_158, %swap3A_159] : memref<64x32768xf32, #tpu.memory_space<vmem>>, vector<64x512xf32>
        tpu.vector_store %arg4[%swap3A_158, %swap3A_159], %select_n3A_157 {strides = array<i32>} : memref<64x32768xf32, #tpu.memory_space<vmem>>, vector<64x512xf32>,
        %min3A_161 = arith.minimumf %min3A_139, %select_n3A_157 : vector<64x512xf32>
        %mul3A_162 = arith.constant 8 : i32
        %mul3A_163 = arith.muli %scan3A_52, %mul3A_162 : i32
        %add3A_164 = arith.constant 5 : i32
        %add3A_165 = arith.addi %mul3A_163, %add3A_164 : i32
        %mul3A_166 = arith.constant 512 : i32
        %mul3A_167 = arith.muli %add3A_165, %mul3A_166 : i32
        %get3A_168 = arith.constant 0 : index
        %get3A_169 = arith.index_cast %mul3A_167 : i32 to index
        %get3A_170 = vector.load %arg4[%get3A_168, %get3A_169] : memref<64x32768xf32, #tpu.memory_space<vmem>>, vector<64x512xf32>
        %mul3A_171 = arith.constant 512 : i32
        %mul3A_172 = arith.muli %add3A_165, %mul3A_171 : i32
        %sub3A_173 = vector.broadcast %mul3A_172 : i32 to vector<64xi32>
        %sub3A_174 = arith.subi %scan3A_27, %sub3A_173 : vector<64xi32>
        %broadcast_in_dim3A_175 = vector.shape_cast %sub3A_174 : vector<64xi32> to vector<64x1xi32>
        %eq3A_176 = vector.broadcast %broadcast_in_dim3A_175 : vector<64x1xi32> to vector<64x512xi32>
        %eq3A_177 = arith.cmpi eq, %iota3A_13, %eq3A_176 : vector<64x512xi32>
        %broadcast_in_dim3A_178 = vector.broadcast %scan3A_17 : f32 to vector<64x512xf32>
        %select_n3A_179 = arith.select %eq3A_177, %broadcast_in_dim3A_178, %get3A_170 : vector<64x512xi1>, vector<64x512xf32>
        %swap3A_180 = arith.constant 0 : index
        %swap3A_181 = arith.index_cast %mul3A_167 : i32 to index
        %swap3A_182 = vector.load %arg4[%swap3A_180, %swap3A_181] : memref<64x32768xf32, #tpu.memory_space<vmem>>, vector<64x512xf32>
        tpu.vector_store %arg4[%swap3A_180, %swap3A_181], %select_n3A_179 {strides = array<i32>} : memref<64x32768xf32, #tpu.memory_space<vmem>>, vector<64x512xf32>,
        %min3A_183 = arith.minimumf %min3A_161, %select_n3A_179 : vector<64x512xf32>
        %mul3A_184 = arith.constant 8 : i32
        %mul3A_185 = arith.muli %scan3A_52, %mul3A_184 : i32
        %add3A_186 = arith.constant 6 : i32
        %add3A_187 = arith.addi %mul3A_185, %add3A_186 : i32
        %mul3A_188 = arith.constant 512 : i32
        %mul3A_189 = arith.muli %add3A_187, %mul3A_188 : i32
        %get3A_190 = arith.constant 0 : index
        %get3A_191 = arith.index_cast %mul3A_189 : i32 to index
        %get3A_192 = vector.load %arg4[%get3A_190, %get3A_191] : memref<64x32768xf32, #tpu.memory_space<vmem>>, vector<64x512xf32>
        %mul3A_193 = arith.constant 512 : i32
        %mul3A_194 = arith.muli %add3A_187, %mul3A_193 : i32
        %sub3A_195 = vector.broadcast %mul3A_194 : i32 to vector<64xi32>
        %sub3A_196 = arith.subi %scan3A_27, %sub3A_195 : vector<64xi32>
        %broadcast_in_dim3A_197 = vector.shape_cast %sub3A_196 : vector<64xi32> to vector<64x1xi32>
        %eq3A_198 = vector.broadcast %broadcast_in_dim3A_197 : vector<64x1xi32> to vector<64x512xi32>
        %eq3A_199 = arith.cmpi eq, %iota3A_13, %eq3A_198 : vector<64x512xi32>
        %broadcast_in_dim3A_200 = vector.broadcast %scan3A_17 : f32 to vector<64x512xf32>
        %select_n3A_201 = arith.select %eq3A_199, %broadcast_in_dim3A_200, %get3A_192 : vector<64x512xi1>, vector<64x512xf32>
        %swap3A_202 = arith.constant 0 : index
        %swap3A_203 = arith.index_cast %mul3A_189 : i32 to index
        %swap3A_204 = vector.load %arg4[%swap3A_202, %swap3A_203] : memref<64x32768xf32, #tpu.memory_space<vmem>>, vector<64x512xf32>
        tpu.vector_store %arg4[%swap3A_202, %swap3A_203], %select_n3A_201 {strides = array<i32>} : memref<64x32768xf32, #tpu.memory_space<vmem>>, vector<64x512xf32>,
        %min3A_205 = arith.minimumf %min3A_183, %select_n3A_201 : vector<64x512xf32>
        %mul3A_206 = arith.constant 8 : i32
        %mul3A_207 = arith.muli %scan3A_52, %mul3A_206 : i32
        %add3A_208 = arith.constant 7 : i32
        %add3A_209 = arith.addi %mul3A_207, %add3A_208 : i32
        %mul3A_210 = arith.constant 512 : i32
        %mul3A_211 = arith.muli %add3A_209, %mul3A_210 : i32
        %get3A_212 = arith.constant 0 : index
        %get3A_213 = arith.index_cast %mul3A_211 : i32 to index
        %get3A_214 = vector.load %arg4[%get3A_212, %get3A_213] : memref<64x32768xf32, #tpu.memory_space<vmem>>, vector<64x512xf32>
        %mul3A_215 = arith.constant 512 : i32
        %mul3A_216 = arith.muli %add3A_209, %mul3A_215 : i32
        %sub3A_217 = vector.broadcast %mul3A_216 : i32 to vector<64xi32>
        %sub3A_218 = arith.subi %scan3A_27, %sub3A_217 : vector<64xi32>
        %broadcast_in_dim3A_219 = vector.shape_cast %sub3A_218 : vector<64xi32> to vector<64x1xi32>
        %eq3A_220 = vector.broadcast %broadcast_in_dim3A_219 : vector<64x1xi32> to vector<64x512xi32>
        %eq3A_221 = arith.cmpi eq, %iota3A_13, %eq3A_220 : vector<64x512xi32>
        %broadcast_in_dim3A_222 = vector.broadcast %scan3A_17 : f32 to vector<64x512xf32>
        %select_n3A_223 = arith.select %eq3A_221, %broadcast_in_dim3A_222, %get3A_214 : vector<64x512xi1>, vector<64x512xf32>
        %swap3A_224 = arith.constant 0 : index
        %swap3A_225 = arith.index_cast %mul3A_211 : i32 to index
        %swap3A_226 = vector.load %arg4[%swap3A_224, %swap3A_225] : memref<64x32768xf32, #tpu.memory_space<vmem>>, vector<64x512xf32>
        tpu.vector_store %arg4[%swap3A_224, %swap3A_225], %select_n3A_223 {strides = array<i32>} : memref<64x32768xf32, #tpu.memory_space<vmem>>, vector<64x512xf32>,
        %min3A_227 = arith.minimumf %min3A_205, %select_n3A_223 : vector<64x512xf32>
        scf.yield %min3A_227 : vector<64x512xf32>
      }
      %scan3A_35 = arith.constant 8 : i32
      %reduce_min3A = arith.constant dense<0x7F800000> : vector<64xf32>
      %reduce_min3A_36 = vector.multi_reduction <minimumf>, %scan3A_34, %reduce_min3A [1] : vector<64x512xf32> to vector<64xf32>
      %broadcast_in_dim3A_37 = vector.shape_cast %reduce_min3A_36 : vector<64xf32> to vector<64x1xf32>
      %eq3A = vector.broadcast %broadcast_in_dim3A_37 : vector<64x1xf32> to vector<64x512xf32>
      %eq3A_38 = arith.cmpf oeq, %scan3A_34, %eq3A : vector<64x512xf32>
      %jit3A = arith.constant 32768 : i32
      %broadcast_in_dim3A_39 = vector.broadcast %jit3A : i32 to vector<64x512xi32>
      %select_n3A = arith.select %eq3A_38, %iota3A_13, %broadcast_in_dim3A_39 : vector<64x512xi1>, vector<64x512xi32>
      %reduce_min3A_40 = arith.constant dense<2147483647> : vector<64xi32>
      %reduce_min3A_41 = vector.multi_reduction <minsi>, %select_n3A, %reduce_min3A_40 [1] : vector<64x512xi32> to vector<64xi32>
      %bitcast_convert_type3A = tpu.bitcast %reduce_min3A_36 : vector<64xf32> -> vector<64xi32>
      %and3A = arith.constant 127 : i32
      %and3A_42 = vector.broadcast %and3A : i32 to vector<64xi32>
      %and3A_43 = arith.andi %bitcast_convert_type3A, %and3A_42 : vector<64xi32>
      %mul3A = arith.constant 512 : i32
      %mul3A_44 = vector.broadcast %mul3A : i32 to vector<64xi32>
      %mul3A_45 = arith.muli %and3A_43, %mul3A_44 : vector<64xi32>
      %add3A = arith.addi %mul3A_45, %reduce_min3A_41 : vector<64xi32>
      %eq3A_46 = vector.broadcast %scan3A_26 : i32 to vector<64x16xi32>
      %eq3A_47 = arith.cmpi eq, %iota3A_12, %eq3A_46 : vector<64x16xi32>
      %broadcast_in_dim3A_48 = vector.shape_cast %add3A : vector<64xi32> to vector<64x1xi32>
      %broadcast_in_dim3A_49 = vector.shape_cast %broadcast_in_dim3A_48 : vector<64x1xi32> to vector<64x1xi32>
      %broadcast_in_dim3A_50 = vector.broadcast %broadcast_in_dim3A_49 : vector<64x1xi32> to vector<64x16xi32>
      %select_n3A_51 = arith.select %eq3A_47, %broadcast_in_dim3A_50, %scan3A_28 : vector<64x16xi1>, vector<64x16xi32>
      scf.yield %add3A, %select_n3A_51 : vector<64xi32>, vector<64x16xi32>
    }
    %scan3A_23 = arith.constant 16 : i32
    %swap3A = arith.constant 0 : index
    %swap3A_24 = arith.constant 0 : index
    %swap3A_25 = vector.load %arg3[%swap3A, %swap3A_24] : memref<64x16xi32, #tpu.memory_space<vmem>>, vector<64x16xi32>
    tpu.vector_store %arg3[%swap3A, %swap3A_24], %scan3A_22#1 {strides = array<i32>} : memref<64x16xi32, #tpu.memory_space<vmem>>, vector<64x16xi32>,
    return
  }
  func.func @transform_0(%arg0: i32) -> (i32, i32) {
    %c0_i32 = arith.constant 0 : i32
    %c0_i32_0 = arith.constant 0 : i32
    %c0_i32_1 = arith.constant 0 : i32
    return %c0_i32, %c0_i32_0 : i32, i32
  }
  func.func @transform_1(%arg0: i32) -> (i32, i32) {
    %c0_i32 = arith.constant 0 : i32
    %c0_i32_0 = arith.constant 0 : i32
    return %arg0, %c0_i32 : i32, i32
  }
  func.func @transform_2(%arg0: i32) -> (i32, i32) {
    %c0_i32 = arith.constant 0 : i32
    %c0_i32_0 = arith.constant 0 : i32
    return %arg0, %c0_i32 : i32, i32
  }
}

module attributes {stable_mosaic.version = 14 : i64} {
  func.func @_mlp_body(%arg0: i32, %arg1: memref<2048x16xf32, #tpu.memory_space<vmem>>, %arg2: memref<128x16xf32, #tpu.memory_space<vmem>>, %arg3: memref<256x256xf32, #tpu.memory_space<vmem>>, %arg4: memref<1x256xf32, #tpu.memory_space<vmem>>, %arg5: memref<256x256xf32, #tpu.memory_space<vmem>>, %arg6: memref<1x256xf32, #tpu.memory_space<vmem>>, %arg7: memref<512x256xf32, #tpu.memory_space<vmem>>, %arg8: memref<1x256xf32, #tpu.memory_space<vmem>>, %arg9: memref<1x128x256xf32, #tpu.memory_space<vmem>>) attributes {dimension_semantics = [#tpu.dimension_semantics<arbitrary>], iteration_bounds = array<i64: 8>, scalar_prefetch = 0 : i64, scratch_operands = 0 : i64, tpu.core_type = #tpu.core_type<tc>, window_params = [{transform_indices = @transform_0, window_bounds = array<i64: 2048, 16>}, {transform_indices = @transform_1, window_bounds = array<i64: 128, 16>}, {pipeline_mode = #tpu.pipeline_mode<synchronous>, transform_indices = @transform_2, window_bounds = array<i64: 256, 256>}, {pipeline_mode = #tpu.pipeline_mode<synchronous>, transform_indices = @transform_3, window_bounds = array<i64: 1, 256>}, {pipeline_mode = #tpu.pipeline_mode<synchronous>, transform_indices = @transform_4, window_bounds = array<i64: 256, 256>}, {pipeline_mode = #tpu.pipeline_mode<synchronous>, transform_indices = @transform_5, window_bounds = array<i64: 1, 256>}, {pipeline_mode = #tpu.pipeline_mode<synchronous>, transform_indices = @transform_6, window_bounds = array<i64: 512, 256>}, {pipeline_mode = #tpu.pipeline_mode<synchronous>, transform_indices = @transform_7, window_bounds = array<i64: 1, 256>}, {transform_indices = @transform_8, window_bounds = array<i64: 1, 128, 256>}]} {
    %get3A = arith.constant 0 : index
    %get3A_0 = arith.constant 0 : index
    %get3A_1 = vector.load %arg1[%get3A, %get3A_0] : memref<2048x16xf32, #tpu.memory_space<vmem>>, vector<2048x16xf32>
    %get3A_2 = arith.constant 0 : index
    %get3A_3 = arith.constant 0 : index
    %get3A_4 = vector.load %arg2[%get3A_2, %get3A_3] : memref<128x16xf32, #tpu.memory_space<vmem>>, vector<128x16xf32>
    %iota3A = tpu.iota {dimensions = array<i32: 0>} : vector<2048x128xi32>
    %iota3A_5 = tpu.iota {dimensions = array<i32: 1>} : vector<2048x128xi32>
    %jit3A = arith.constant 16 : i32
    %div3A = vector.broadcast %jit3A : i32 to vector<2048x128xi32>
    %div3A_6 = arith.divsi %iota3A, %div3A : vector<2048x128xi32>
    %sign3A = arith.constant 0 : i32
    %sign3A_7 = vector.broadcast %sign3A : i32 to vector<2048x128xi32>
    %sign3A_8 = arith.cmpi sgt, %iota3A, %sign3A_7 : vector<2048x128xi32>
    %sign3A_9 = arith.extui %sign3A_8 : vector<2048x128xi1> to vector<2048x128xi32>
    %sign3A_10 = arith.constant 0 : i32
    %sign3A_11 = vector.broadcast %sign3A_10 : i32 to vector<2048x128xi32>
    %sign3A_12 = arith.cmpi slt, %iota3A, %sign3A_11 : vector<2048x128xi32>
    %sign3A_13 = arith.extui %sign3A_12 : vector<2048x128xi1> to vector<2048x128xi32>
    %sign3A_14 = arith.subi %sign3A_9, %sign3A_13 : vector<2048x128xi32>
    %sign3A_15 = arith.constant 0 : i32
    %sign3A_16 = arith.cmpi sgt, %jit3A, %sign3A_15 : i32
    %sign3A_17 = arith.extui %sign3A_16 : i1 to i32
    %sign3A_18 = arith.constant 0 : i32
    %sign3A_19 = arith.cmpi slt, %jit3A, %sign3A_18 : i32
    %sign3A_20 = arith.extui %sign3A_19 : i1 to i32
    %sign3A_21 = arith.subi %sign3A_17, %sign3A_20 : i32
    %ne3A = vector.broadcast %sign3A_21 : i32 to vector<2048x128xi32>
    %ne3A_22 = arith.cmpi ne, %sign3A_14, %ne3A : vector<2048x128xi32>
    %rem3A = vector.broadcast %jit3A : i32 to vector<2048x128xi32>
    %rem3A_23 = arith.remsi %iota3A, %rem3A : vector<2048x128xi32>
    %ne3A_24 = arith.constant 0 : i32
    %ne3A_25 = vector.broadcast %ne3A_24 : i32 to vector<2048x128xi32>
    %ne3A_26 = arith.cmpi ne, %rem3A_23, %ne3A_25 : vector<2048x128xi32>
    %and3A = arith.andi %ne3A_22, %ne3A_26 : vector<2048x128xi1>
    %sub3A = arith.constant 1 : i32
    %sub3A_27 = vector.broadcast %sub3A : i32 to vector<2048x128xi32>
    %sub3A_28 = arith.subi %div3A_6, %sub3A_27 : vector<2048x128xi32>
    %select_n3A = arith.select %and3A, %sub3A_28, %div3A_6 : vector<2048x128xi1>, vector<2048x128xi32>
    %eq3A = arith.cmpi eq, %select_n3A, %iota3A_5 : vector<2048x128xi32>
    %convert_element_type3A = arith.extui %eq3A : vector<2048x128xi1> to vector<2048x128xi32>
    %convert_element_type3A_29 = arith.sitofp %convert_element_type3A : vector<2048x128xi32> to vector<2048x128xf32>
    %dot_general3A = arith.constant dense<0.000000e+00> : vector<2048x16xf32>
    %dot_general3A_30 = tpu.matmul %convert_element_type3A_29, %get3A_4, %dot_general3A {dimension_numbers = #tpu.dot_dimension_numbers<[1], [0], [0], [1], [0, 0, 1, 1], [], []>, precision = #tpu.contract_precision<fp32>, transpose_lhs_hint = false} : vector<2048x128xf32>, vector<128x16xf32>, vector<2048x16xf32> -> vector<2048x16xf32>
    %sub3A_31 = arith.subf %get3A_1, %dot_general3A_30 : vector<2048x16xf32>
    %mul3A = arith.mulf %sub3A_31, %sub3A_31 : vector<2048x16xf32>
    %slice3A = vector.extract_strided_slice %mul3A {offsets = [0, 0], sizes = [2048, 1], strides = [1, 1]} : vector<2048x16xf32> to vector<2048x1xf32>
    %slice3A_32 = vector.extract_strided_slice %mul3A {offsets = [0, 1], sizes = [2048, 1], strides = [1, 1]} : vector<2048x16xf32> to vector<2048x1xf32>
    %add3A = arith.addf %slice3A, %slice3A_32 : vector<2048x1xf32>
    %slice3A_33 = vector.extract_strided_slice %mul3A {offsets = [0, 2], sizes = [2048, 1], strides = [1, 1]} : vector<2048x16xf32> to vector<2048x1xf32>
    %add3A_34 = arith.addf %add3A, %slice3A_33 : vector<2048x1xf32>
    %add3A_35 = arith.constant 9.99999996E-13 : f32
    %add3A_36 = vector.broadcast %add3A_35 : f32 to vector<2048x1xf32>
    %add3A_37 = arith.addf %add3A_34, %add3A_36 : vector<2048x1xf32>
    %sqrt3A = math.sqrt %add3A_37 : vector<2048x1xf32>
    %slice3A_38 = vector.extract_strided_slice %sub3A_31 {offsets = [0, 0], sizes = [2048, 1], strides = [1, 1]} : vector<2048x16xf32> to vector<2048x1xf32>
    %slice3A_39 = vector.extract_strided_slice %sub3A_31 {offsets = [0, 1], sizes = [2048, 1], strides = [1, 1]} : vector<2048x16xf32> to vector<2048x1xf32>
    %slice3A_40 = vector.extract_strided_slice %sub3A_31 {offsets = [0, 2], sizes = [2048, 1], strides = [1, 1]} : vector<2048x16xf32> to vector<2048x1xf32>
    %broadcast_in_dim3A = vector.shape_cast %slice3A_38 : vector<2048x1xf32> to vector<2048x1xf32>
    %broadcast_in_dim3A_41 = vector.broadcast %broadcast_in_dim3A : vector<2048x1xf32> to vector<2048x32xf32>
    %broadcast_in_dim3A_42 = vector.shape_cast %slice3A_39 : vector<2048x1xf32> to vector<2048x1xf32>
    %broadcast_in_dim3A_43 = vector.broadcast %broadcast_in_dim3A_42 : vector<2048x1xf32> to vector<2048x32xf32>
    %broadcast_in_dim3A_44 = vector.shape_cast %slice3A_40 : vector<2048x1xf32> to vector<2048x1xf32>
    %broadcast_in_dim3A_45 = vector.broadcast %broadcast_in_dim3A_44 : vector<2048x1xf32> to vector<2048x32xf32>
    %broadcast_in_dim3A_46 = vector.shape_cast %sqrt3A : vector<2048x1xf32> to vector<2048x1xf32>
    %broadcast_in_dim3A_47 = vector.broadcast %broadcast_in_dim3A_46 : vector<2048x1xf32> to vector<2048x32xf32>
    %concatenate3A = tpu.concatenate %broadcast_in_dim3A_41, %broadcast_in_dim3A_43, %broadcast_in_dim3A_45, %broadcast_in_dim3A_47 in 1 : vector<2048x32xf32>, vector<2048x32xf32>, vector<2048x32xf32>, vector<2048x32xf32> -> vector<2048x128xf32>
    %iota3A_48 = tpu.iota {dimensions = array<i32: 1>} : vector<1x128xi32>
    %jit3A_49 = arith.constant 32 : i32
    %eq3A_50 = arith.constant 0 : i32
    %eq3A_51 = arith.cmpi eq, %jit3A_49, %eq3A_50 : i32
    %jit3A_52 = arith.constant 1 : i32
    %select_n3A_53 = arith.select %eq3A_51, %jit3A_52, %jit3A_49 : i32
    %rem3A_54 = vector.broadcast %select_n3A_53 : i32 to vector<1x128xi32>
    %rem3A_55 = arith.remsi %iota3A_48, %rem3A_54 : vector<1x128xi32>
    %ne3A_56 = arith.constant 0 : i32
    %ne3A_57 = vector.broadcast %ne3A_56 : i32 to vector<1x128xi32>
    %ne3A_58 = arith.cmpi ne, %rem3A_55, %ne3A_57 : vector<1x128xi32>
    %lt3A = arith.constant 0 : i32
    %lt3A_59 = vector.broadcast %lt3A : i32 to vector<1x128xi32>
    %lt3A_60 = arith.cmpi slt, %rem3A_55, %lt3A_59 : vector<1x128xi32>
    %lt3A_61 = arith.constant 0 : i32
    %lt3A_62 = arith.cmpi slt, %select_n3A_53, %lt3A_61 : i32
    %ne3A_63 = vector.broadcast %lt3A_62 : i1 to vector<1x128xi1>
    %ne3A_64 = vector.broadcast %ne3A_63 : vector<1x128xi1> to vector<1x128xi1>
    %ne3A_65 = arith.xori %lt3A_60, %ne3A_64 : vector<1x128xi1>
    %and3A_66 = arith.andi %ne3A_65, %ne3A_58 : vector<1x128xi1>
    %add3A_67 = vector.broadcast %select_n3A_53 : i32 to vector<1x128xi32>
    %add3A_68 = arith.addi %rem3A_55, %add3A_67 : vector<1x128xi32>
    %select_n3A_69 = arith.select %and3A_66, %add3A_68, %rem3A_55 : vector<1x128xi1>, vector<1x128xi32>
    %convert_element_type3A_70 = arith.sitofp %select_n3A_69 : vector<1x128xi32> to vector<1x128xf32>
    %div3A_71 = arith.constant 3.200000e+01 : f32
    %div3A_72 = vector.broadcast %div3A_71 : f32 to vector<1x128xf32>
    %div3A_73 = arith.divf %convert_element_type3A_70, %div3A_72 : vector<1x128xf32>
    %mul3A_74 = arith.constant 9.21034049 : f32
    %mul3A_75 = vector.broadcast %mul3A_74 : f32 to vector<1x128xf32>
    %mul3A_76 = arith.mulf %div3A_73, %mul3A_75 : vector<1x128xf32>
    %exp3A = math.exp %mul3A_76 : vector<1x128xf32>
    %div3A_77 = arith.constant 1.000000e+00 : f32
    %div3A_78 = vector.broadcast %div3A_77 : f32 to vector<1x128xf32>
    %div3A_79 = arith.divf %div3A_78, %exp3A : vector<1x128xf32>
    %mul3A_80 = vector.broadcast %div3A_79 : vector<1x128xf32> to vector<2048x128xf32>
    %mul3A_81 = arith.mulf %concatenate3A, %mul3A_80 : vector<2048x128xf32>
    %sin3A = math.sin %mul3A_81 : vector<2048x128xf32>
    %cos3A = math.cos %mul3A_81 : vector<2048x128xf32>
    %slice3A_82 = vector.extract_strided_slice %sin3A {offsets = [0, 0], sizes = [2048, 32], strides = [1, 1]} : vector<2048x128xf32> to vector<2048x32xf32>
    %slice3A_83 = vector.extract_strided_slice %cos3A {offsets = [0, 0], sizes = [2048, 32], strides = [1, 1]} : vector<2048x128xf32> to vector<2048x32xf32>
    %slice3A_84 = vector.extract_strided_slice %sin3A {offsets = [0, 32], sizes = [2048, 32], strides = [1, 1]} : vector<2048x128xf32> to vector<2048x32xf32>
    %slice3A_85 = vector.extract_strided_slice %cos3A {offsets = [0, 32], sizes = [2048, 32], strides = [1, 1]} : vector<2048x128xf32> to vector<2048x32xf32>
    %slice3A_86 = vector.extract_strided_slice %sin3A {offsets = [0, 64], sizes = [2048, 32], strides = [1, 1]} : vector<2048x128xf32> to vector<2048x32xf32>
    %slice3A_87 = vector.extract_strided_slice %cos3A {offsets = [0, 64], sizes = [2048, 32], strides = [1, 1]} : vector<2048x128xf32> to vector<2048x32xf32>
    %slice3A_88 = vector.extract_strided_slice %sin3A {offsets = [0, 96], sizes = [2048, 32], strides = [1, 1]} : vector<2048x128xf32> to vector<2048x32xf32>
    %slice3A_89 = vector.extract_strided_slice %cos3A {offsets = [0, 96], sizes = [2048, 32], strides = [1, 1]} : vector<2048x128xf32> to vector<2048x32xf32>
    %concatenate3A_90 = tpu.concatenate %slice3A_82, %slice3A_83, %slice3A_84, %slice3A_85, %slice3A_86, %slice3A_87, %slice3A_88, %slice3A_89 in 1 : vector<2048x32xf32>, vector<2048x32xf32>, vector<2048x32xf32>, vector<2048x32xf32>, vector<2048x32xf32>, vector<2048x32xf32>, vector<2048x32xf32>, vector<2048x32xf32> -> vector<2048x256xf32>
    %get3A_91 = arith.constant 0 : index
    %get3A_92 = arith.constant 0 : index
    %get3A_93 = vector.load %arg3[%get3A_91, %get3A_92] : memref<256x256xf32, #tpu.memory_space<vmem>>, vector<256x256xf32>
    %dot_general3A_94 = arith.constant dense<0.000000e+00> : vector<2048x256xf32>
    %dot_general3A_95 = tpu.matmul %concatenate3A_90, %get3A_93, %dot_general3A_94 {dimension_numbers = #tpu.dot_dimension_numbers<[1], [0], [0], [1], [0, 0, 1, 1], [], []>, transpose_lhs_hint = false} : vector<2048x256xf32>, vector<256x256xf32>, vector<2048x256xf32> -> vector<2048x256xf32>
    %get3A_96 = arith.constant 0 : index
    %get3A_97 = arith.constant 0 : index
    %get3A_98 = vector.load %arg4[%get3A_96, %get3A_97] : memref<1x256xf32, #tpu.memory_space<vmem>>, vector<1x256xf32>
    %add3A_99 = vector.broadcast %get3A_98 : vector<1x256xf32> to vector<2048x256xf32>
    %add3A_100 = arith.addf %dot_general3A_95, %add3A_99 : vector<2048x256xf32>
    %integer_pow3A = arith.mulf %add3A_100, %add3A_100 : vector<2048x256xf32>
    %integer_pow3A_101 = arith.mulf %add3A_100, %integer_pow3A : vector<2048x256xf32>
    %mul3A_102 = arith.constant 4.471500e-02 : f32
    %mul3A_103 = vector.broadcast %mul3A_102 : f32 to vector<2048x256xf32>
    %mul3A_104 = arith.mulf %mul3A_103, %integer_pow3A_101 : vector<2048x256xf32>
    %add3A_105 = arith.addf %add3A_100, %mul3A_104 : vector<2048x256xf32>
    %mul3A_106 = arith.constant 0.797884583 : f32
    %mul3A_107 = vector.broadcast %mul3A_106 : f32 to vector<2048x256xf32>
    %mul3A_108 = arith.mulf %mul3A_107, %add3A_105 : vector<2048x256xf32>
    %tanh3A = math.tanh %mul3A_108 : vector<2048x256xf32>
    %add3A_109 = arith.constant 1.000000e+00 : f32
    %add3A_110 = vector.broadcast %add3A_109 : f32 to vector<2048x256xf32>
    %add3A_111 = arith.addf %add3A_110, %tanh3A : vector<2048x256xf32>
    %mul3A_112 = arith.constant 5.000000e-01 : f32
    %mul3A_113 = vector.broadcast %mul3A_112 : f32 to vector<2048x256xf32>
    %mul3A_114 = arith.mulf %mul3A_113, %add3A_111 : vector<2048x256xf32>
    %mul3A_115 = arith.mulf %add3A_100, %mul3A_114 : vector<2048x256xf32>
    %get3A_116 = arith.constant 0 : index
    %get3A_117 = arith.constant 0 : index
    %get3A_118 = vector.load %arg5[%get3A_116, %get3A_117] : memref<256x256xf32, #tpu.memory_space<vmem>>, vector<256x256xf32>
    %dot_general3A_119 = arith.constant dense<0.000000e+00> : vector<2048x256xf32>
    %dot_general3A_120 = tpu.matmul %mul3A_115, %get3A_118, %dot_general3A_119 {dimension_numbers = #tpu.dot_dimension_numbers<[1], [0], [0], [1], [0, 0, 1, 1], [], []>, transpose_lhs_hint = false} : vector<2048x256xf32>, vector<256x256xf32>, vector<2048x256xf32> -> vector<2048x256xf32>
    %get3A_121 = arith.constant 0 : index
    %get3A_122 = arith.constant 0 : index
    %get3A_123 = vector.load %arg6[%get3A_121, %get3A_122] : memref<1x256xf32, #tpu.memory_space<vmem>>, vector<1x256xf32>
    %add3A_124 = vector.broadcast %get3A_123 : vector<1x256xf32> to vector<2048x256xf32>
    %add3A_125 = arith.addf %dot_general3A_120, %add3A_124 : vector<2048x256xf32>
    %iota3A_126 = tpu.iota {dimensions = array<i32: 1>} : vector<128x2048xi32>
    %iota3A_127 = tpu.iota {dimensions = array<i32: 0>} : vector<128x2048xi32>
    %jit3A_128 = arith.constant 16 : i32
    %div3A_129 = vector.broadcast %jit3A_128 : i32 to vector<128x2048xi32>
    %div3A_130 = arith.divsi %iota3A_126, %div3A_129 : vector<128x2048xi32>
    %sign3A_131 = arith.constant 0 : i32
    %sign3A_132 = vector.broadcast %sign3A_131 : i32 to vector<128x2048xi32>
    %sign3A_133 = arith.cmpi sgt, %iota3A_126, %sign3A_132 : vector<128x2048xi32>
    %sign3A_134 = arith.extui %sign3A_133 : vector<128x2048xi1> to vector<128x2048xi32>
    %sign3A_135 = arith.constant 0 : i32
    %sign3A_136 = vector.broadcast %sign3A_135 : i32 to vector<128x2048xi32>
    %sign3A_137 = arith.cmpi slt, %iota3A_126, %sign3A_136 : vector<128x2048xi32>
    %sign3A_138 = arith.extui %sign3A_137 : vector<128x2048xi1> to vector<128x2048xi32>
    %sign3A_139 = arith.subi %sign3A_134, %sign3A_138 : vector<128x2048xi32>
    %sign3A_140 = arith.constant 0 : i32
    %sign3A_141 = arith.cmpi sgt, %jit3A_128, %sign3A_140 : i32
    %sign3A_142 = arith.extui %sign3A_141 : i1 to i32
    %sign3A_143 = arith.constant 0 : i32
    %sign3A_144 = arith.cmpi slt, %jit3A_128, %sign3A_143 : i32
    %sign3A_145 = arith.extui %sign3A_144 : i1 to i32
    %sign3A_146 = arith.subi %sign3A_142, %sign3A_145 : i32
    %ne3A_147 = vector.broadcast %sign3A_146 : i32 to vector<128x2048xi32>
    %ne3A_148 = arith.cmpi ne, %sign3A_139, %ne3A_147 : vector<128x2048xi32>
    %rem3A_149 = vector.broadcast %jit3A_128 : i32 to vector<128x2048xi32>
    %rem3A_150 = arith.remsi %iota3A_126, %rem3A_149 : vector<128x2048xi32>
    %ne3A_151 = arith.constant 0 : i32
    %ne3A_152 = vector.broadcast %ne3A_151 : i32 to vector<128x2048xi32>
    %ne3A_153 = arith.cmpi ne, %rem3A_150, %ne3A_152 : vector<128x2048xi32>
    %and3A_154 = arith.andi %ne3A_148, %ne3A_153 : vector<128x2048xi1>
    %sub3A_155 = arith.constant 1 : i32
    %sub3A_156 = vector.broadcast %sub3A_155 : i32 to vector<128x2048xi32>
    %sub3A_157 = arith.subi %div3A_130, %sub3A_156 : vector<128x2048xi32>
    %select_n3A_158 = arith.select %and3A_154, %sub3A_157, %div3A_130 : vector<128x2048xi1>, vector<128x2048xi32>
    %eq3A_159 = arith.cmpi eq, %select_n3A_158, %iota3A_127 : vector<128x2048xi32>
    %jit3A_160 = arith.constant 6.250000e-02 : f32
    %jit3A_161 = arith.constant 0.000000e+00 : f32
    %broadcast_in_dim3A_162 = vector.broadcast %jit3A_160 : f32 to vector<128x2048xf32>
    %broadcast_in_dim3A_163 = vector.broadcast %jit3A_161 : f32 to vector<128x2048xf32>
    %select_n3A_164 = arith.select %eq3A_159, %broadcast_in_dim3A_162, %broadcast_in_dim3A_163 : vector<128x2048xi1>, vector<128x2048xf32>
    %dot_general3A_165 = arith.constant dense<0.000000e+00> : vector<128x256xf32>
    %dot_general3A_166 = tpu.matmul %select_n3A_164, %add3A_125, %dot_general3A_165 {dimension_numbers = #tpu.dot_dimension_numbers<[1], [0], [0], [1], [0, 0, 1, 1], [], []>, precision = #tpu.contract_precision<fp32>, transpose_lhs_hint = false} : vector<128x2048xf32>, vector<2048x256xf32>, vector<128x256xf32> -> vector<128x256xf32>
    %slice3A_167 = vector.extract_strided_slice %get3A_4 {offsets = [0, 0], sizes = [128, 1], strides = [1, 1]} : vector<128x16xf32> to vector<128x1xf32>
    %slice3A_168 = vector.extract_strided_slice %get3A_4 {offsets = [0, 1], sizes = [128, 1], strides = [1, 1]} : vector<128x16xf32> to vector<128x1xf32>
    %slice3A_169 = vector.extract_strided_slice %get3A_4 {offsets = [0, 2], sizes = [128, 1], strides = [1, 1]} : vector<128x16xf32> to vector<128x1xf32>
    %broadcast_in_dim3A_170 = vector.shape_cast %slice3A_167 : vector<128x1xf32> to vector<128x1xf32>
    %broadcast_in_dim3A_171 = vector.broadcast %broadcast_in_dim3A_170 : vector<128x1xf32> to vector<128x42xf32>
    %broadcast_in_dim3A_172 = vector.shape_cast %slice3A_168 : vector<128x1xf32> to vector<128x1xf32>
    %broadcast_in_dim3A_173 = vector.broadcast %broadcast_in_dim3A_172 : vector<128x1xf32> to vector<128x42xf32>
    %broadcast_in_dim3A_174 = vector.shape_cast %slice3A_169 : vector<128x1xf32> to vector<128x1xf32>
    %broadcast_in_dim3A_175 = vector.broadcast %broadcast_in_dim3A_174 : vector<128x1xf32> to vector<128x42xf32>
    %concatenate3A_176 = tpu.concatenate %broadcast_in_dim3A_171, %broadcast_in_dim3A_173, %broadcast_in_dim3A_175 in 1 : vector<128x42xf32>, vector<128x42xf32>, vector<128x42xf32> -> vector<128x126xf32>
    %iota3A_177 = tpu.iota {dimensions = array<i32: 1>} : vector<1x126xi32>
    %jit3A_178 = arith.constant 42 : i32
    %eq3A_179 = arith.constant 0 : i32
    %eq3A_180 = arith.cmpi eq, %jit3A_178, %eq3A_179 : i32
    %jit3A_181 = arith.constant 1 : i32
    %select_n3A_182 = arith.select %eq3A_180, %jit3A_181, %jit3A_178 : i32
    %rem3A_183 = vector.broadcast %select_n3A_182 : i32 to vector<1x126xi32>
    %rem3A_184 = arith.remsi %iota3A_177, %rem3A_183 : vector<1x126xi32>
    %ne3A_185 = arith.constant 0 : i32
    %ne3A_186 = vector.broadcast %ne3A_185 : i32 to vector<1x126xi32>
    %ne3A_187 = arith.cmpi ne, %rem3A_184, %ne3A_186 : vector<1x126xi32>
    %lt3A_188 = arith.constant 0 : i32
    %lt3A_189 = vector.broadcast %lt3A_188 : i32 to vector<1x126xi32>
    %lt3A_190 = arith.cmpi slt, %rem3A_184, %lt3A_189 : vector<1x126xi32>
    %lt3A_191 = arith.constant 0 : i32
    %lt3A_192 = arith.cmpi slt, %select_n3A_182, %lt3A_191 : i32
    %ne3A_193 = vector.broadcast %lt3A_192 : i1 to vector<1x126xi1>
    %ne3A_194 = vector.broadcast %ne3A_193 : vector<1x126xi1> to vector<1x126xi1>
    %ne3A_195 = arith.xori %lt3A_190, %ne3A_194 : vector<1x126xi1>
    %and3A_196 = arith.andi %ne3A_195, %ne3A_187 : vector<1x126xi1>
    %add3A_197 = vector.broadcast %select_n3A_182 : i32 to vector<1x126xi32>
    %add3A_198 = arith.addi %rem3A_184, %add3A_197 : vector<1x126xi32>
    %select_n3A_199 = arith.select %and3A_196, %add3A_198, %rem3A_184 : vector<1x126xi1>, vector<1x126xi32>
    %convert_element_type3A_200 = arith.sitofp %select_n3A_199 : vector<1x126xi32> to vector<1x126xf32>
    %div3A_201 = arith.constant 4.200000e+01 : f32
    %div3A_202 = vector.broadcast %div3A_201 : f32 to vector<1x126xf32>
    %div3A_203 = arith.divf %convert_element_type3A_200, %div3A_202 : vector<1x126xf32>
    %mul3A_204 = arith.constant 9.21034049 : f32
    %mul3A_205 = vector.broadcast %mul3A_204 : f32 to vector<1x126xf32>
    %mul3A_206 = arith.mulf %div3A_203, %mul3A_205 : vector<1x126xf32>
    %exp3A_207 = math.exp %mul3A_206 : vector<1x126xf32>
    %div3A_208 = arith.constant 1.000000e+00 : f32
    %div3A_209 = vector.broadcast %div3A_208 : f32 to vector<1x126xf32>
    %div3A_210 = arith.divf %div3A_209, %exp3A_207 : vector<1x126xf32>
    %mul3A_211 = vector.broadcast %div3A_210 : vector<1x126xf32> to vector<128x126xf32>
    %mul3A_212 = arith.mulf %concatenate3A_176, %mul3A_211 : vector<128x126xf32>
    %sin3A_213 = math.sin %mul3A_212 : vector<128x126xf32>
    %cos3A_214 = math.cos %mul3A_212 : vector<128x126xf32>
    %slice3A_215 = vector.extract_strided_slice %sin3A_213 {offsets = [0, 0], sizes = [128, 42], strides = [1, 1]} : vector<128x126xf32> to vector<128x42xf32>
    %slice3A_216 = vector.extract_strided_slice %cos3A_214 {offsets = [0, 0], sizes = [128, 42], strides = [1, 1]} : vector<128x126xf32> to vector<128x42xf32>
    %slice3A_217 = vector.extract_strided_slice %sin3A_213 {offsets = [0, 42], sizes = [128, 42], strides = [1, 1]} : vector<128x126xf32> to vector<128x42xf32>
    %slice3A_218 = vector.extract_strided_slice %cos3A_214 {offsets = [0, 42], sizes = [128, 42], strides = [1, 1]} : vector<128x126xf32> to vector<128x42xf32>
    %slice3A_219 = vector.extract_strided_slice %sin3A_213 {offsets = [0, 84], sizes = [128, 42], strides = [1, 1]} : vector<128x126xf32> to vector<128x42xf32>
    %slice3A_220 = vector.extract_strided_slice %cos3A_214 {offsets = [0, 84], sizes = [128, 42], strides = [1, 1]} : vector<128x126xf32> to vector<128x42xf32>
    %broadcast_in_dim3A_221 = arith.constant 0.000000e+00 : f32
    %broadcast_in_dim3A_222 = vector.broadcast %broadcast_in_dim3A_221 : f32 to vector<128x4xf32>
    %concatenate3A_223 = tpu.concatenate %slice3A_215, %slice3A_216, %slice3A_217, %slice3A_218, %slice3A_219, %slice3A_220, %broadcast_in_dim3A_222 in 1 : vector<128x42xf32>, vector<128x42xf32>, vector<128x42xf32>, vector<128x42xf32>, vector<128x42xf32>, vector<128x42xf32>, vector<128x4xf32> -> vector<128x256xf32>
    %get3A_224 = arith.constant 0 : index
    %get3A_225 = arith.constant 0 : index
    %get3A_226 = vector.load %arg7[%get3A_224, %get3A_225] : memref<512x256xf32, #tpu.memory_space<vmem>>, vector<256x256xf32>
    %dot_general3A_227 = arith.constant dense<0.000000e+00> : vector<128x256xf32>
    %dot_general3A_228 = tpu.matmul %dot_general3A_166, %get3A_226, %dot_general3A_227 {dimension_numbers = #tpu.dot_dimension_numbers<[1], [0], [0], [1], [0, 0, 1, 1], [], []>, transpose_lhs_hint = false} : vector<128x256xf32>, vector<256x256xf32>, vector<128x256xf32> -> vector<128x256xf32>
    %get3A_229 = arith.constant 256 : index
    %get3A_230 = arith.constant 0 : index
    %get3A_231 = vector.load %arg7[%get3A_229, %get3A_230] : memref<512x256xf32, #tpu.memory_space<vmem>>, vector<256x256xf32>
    %dot_general3A_232 = arith.constant dense<0.000000e+00> : vector<128x256xf32>
    %dot_general3A_233 = tpu.matmul %concatenate3A_223, %get3A_231, %dot_general3A_232 {dimension_numbers = #tpu.dot_dimension_numbers<[1], [0], [0], [1], [0, 0, 1, 1], [], []>, transpose_lhs_hint = false} : vector<128x256xf32>, vector<256x256xf32>, vector<128x256xf32> -> vector<128x256xf32>
    %add3A_234 = arith.addf %dot_general3A_228, %dot_general3A_233 : vector<128x256xf32>
    %get3A_235 = arith.constant 0 : index
    %get3A_236 = arith.constant 0 : index
    %get3A_237 = vector.load %arg8[%get3A_235, %get3A_236] : memref<1x256xf32, #tpu.memory_space<vmem>>, vector<1x256xf32>
    %add3A_238 = vector.broadcast %get3A_237 : vector<1x256xf32> to vector<128x256xf32>
    %add3A_239 = arith.addf %add3A_234, %add3A_238 : vector<128x256xf32>
    %swap3A = arith.constant 0 : index
    %swap3A_240 = arith.constant 0 : index
    %swap3A_241 = arith.constant 0 : index
    %swap3A_242 = vector.load %arg9[%swap3A, %swap3A_240, %swap3A_241] : memref<1x128x256xf32, #tpu.memory_space<vmem>>, vector<1x128x256xf32>
    %swap3A_243 = vector.shape_cast %swap3A_242 : vector<1x128x256xf32> to vector<128x256xf32>
    %swap3A_244 = vector.shape_cast %add3A_239 : vector<128x256xf32> to vector<1x128x256xf32>
    tpu.vector_store %arg9[%swap3A, %swap3A_240, %swap3A_241], %swap3A_244 {strides = array<i32>} : memref<1x128x256xf32, #tpu.memory_space<vmem>>, vector<1x128x256xf32>,
    return
  }
  func.func @transform_0(%arg0: i32) -> (i32, i32) {
    %c0_i32 = arith.constant 0 : i32
    %c0_i32_0 = arith.constant 0 : i32
    return %arg0, %c0_i32 : i32, i32
  }
  func.func @transform_1(%arg0: i32) -> (i32, i32) {
    %c0_i32 = arith.constant 0 : i32
    %c0_i32_0 = arith.constant 0 : i32
    return %arg0, %c0_i32 : i32, i32
  }
  func.func @transform_2(%arg0: i32) -> (i32, i32) {
    %c0_i32 = arith.constant 0 : i32
    %c0_i32_0 = arith.constant 0 : i32
    %c0_i32_1 = arith.constant 0 : i32
    return %c0_i32, %c0_i32_0 : i32, i32
  }
  func.func @transform_3(%arg0: i32) -> (i32, i32) {
    %c0_i32 = arith.constant 0 : i32
    %c0_i32_0 = arith.constant 0 : i32
    %c0_i32_1 = arith.constant 0 : i32
    return %c0_i32, %c0_i32_0 : i32, i32
  }
  func.func @transform_4(%arg0: i32) -> (i32, i32) {
    %c0_i32 = arith.constant 0 : i32
    %c0_i32_0 = arith.constant 0 : i32
    %c0_i32_1 = arith.constant 0 : i32
    return %c0_i32, %c0_i32_0 : i32, i32
  }
  func.func @transform_5(%arg0: i32) -> (i32, i32) {
    %c0_i32 = arith.constant 0 : i32
    %c0_i32_0 = arith.constant 0 : i32
    %c0_i32_1 = arith.constant 0 : i32
    return %c0_i32, %c0_i32_0 : i32, i32
  }
  func.func @transform_6(%arg0: i32) -> (i32, i32) {
    %c0_i32 = arith.constant 0 : i32
    %c0_i32_0 = arith.constant 0 : i32
    %c0_i32_1 = arith.constant 0 : i32
    return %c0_i32, %c0_i32_0 : i32, i32
  }
  func.func @transform_7(%arg0: i32) -> (i32, i32) {
    %c0_i32 = arith.constant 0 : i32
    %c0_i32_0 = arith.constant 0 : i32
    %c0_i32_1 = arith.constant 0 : i32
    return %c0_i32, %c0_i32_0 : i32, i32
  }
  func.func @transform_8(%arg0: i32) -> (i32, i32, i32) {
    %c0_i32 = arith.constant 0 : i32
    %c0_i32_0 = arith.constant 0 : i32
    %c0_i32_1 = arith.constant 0 : i32
    return %c0_i32, %arg0, %c0_i32_0 : i32, i32, i32
  }
}

</mosaic_0001>

<sc_bundles>
// kernel: kernel.6.cloned.1.call-start
scs
__scs_entry_jumppad:
0x0: {  	(pc) =	sbr.rel $0x88, $3  }
0x1: {  	(tag) =	ssettag $0x0;
	lr =	simm.s32 $0x1  }
0x2: {  	[smem:$0x3F99] =	sst lr;
	_ =	strace $0xD0000000  }
0x3: {  	_ = 	snop  }
0x4: {  	_ = 	snop  }
0x5: {  	_ = 	snop  }
0x6: {  	_ = 	snop  }
0x7: {  	_ = 	snop  }
__scs_overlays_trampoline_lowered:
0x8: {  	[smem:$0x3FA8] =	sst s0  }
0x9: {  	[smem:$0x3FA9] =	sst s1  }
0xa: {  	[smem:$0x3FAA] =	sst s2  }
0xb: {  	[smem:$0x3FAB] =	sst s3  }
0xc: {  	[smem:$0x3FAC] =	sst s4  }
0xd: {  	[smem:$0x3FAD] =	sst s5  }
0xe: {  	[smem:$0x3FAE] =	sst s6  }
0xf: {  	[smem:$0x3FAF] =	sst s7  }
0x10: {  	[smem:$0x3FB0] =	sst s8  }
0x11: {  	[smem:$0x3FB1] =	sst s9;
	s0 =	simm.s32 @!p0 $0x0  }
0x12: {  	s1 =	sld [smem:$0x3F97];
	s0 =	simm.s32 @p0 $0x1  }
0x13: {  	[smem:$0x3FB2] =	sst s0;
	s0 =	simm.s32 @!p1 $0x0  }
0x14: {  	s2 =	sld [smem:$0x3F96];
	s0 =	simm.s32 @p1 $0x1  }
0x15: {  	[smem:$0x3FB3] =	sst s0;
	s0 =	simm.s32 @!p2 $0x0  }
0x16: {  	s3 =	sld [smem:$0x3FDB];
	s0 =	simm.s32 @p2 $0x1  }
0x17: {  	s4 =	simm.s32 $0x1BF5;
	[smem:$0x3FB5] =	sst s0  }
0x18: {  	s0 =	sld [smem:$0x3F98];
	_ =	swait.ge [sflag:s4], $0x0  }
0x19: {  	s7 =	sld [smem:$0x3F99]  }
0x1a: {  	s8 =	sadd.s32 $0xFFFFE003, lr  }
0x1b: {  	s9 =	sadd.s32 $0xFFFFFEF7, lr;
	s5 =	simm.s32 $0xFFFFFFFF;
	p2 =	slt.u32 s8, $0xFFFFF086  }
0x1c: {  	p1 =	slt.u32 s9, $0xF7A;
	s5 =	simm.s32 @!p2 $0x0  }
0x1d: {  	s5 =	simm.s32 @p1 $0x1;
	p0 =	seq.s32 s7, s2  }
0x1e: {  	s7 =	smul.u32 @!p0 $0xF7A, s2;
	p2 =	seq.s32 @!p0 s5, $0x0  }
0x1f: {  	s9 =	smul.u32 $0xF7A, s1;
	s8 =	simm.s32 @!p0 $0x1BF5;
	p2 =	por !p2, p0  }
0x20: {  	[sflag:s8] =	ssyncset.s32 @!p0 $0xFFFFF086;
	s6 =	sadd.s32 @!p0 s3, s7;
	s7 =	simm.s32 @!p0 $0x108  }
0x21: {  	s3 =	sadd.s32 s3, s9;
	s6 =	sadd.s32 @!p0 $0x88, s6;
	s7 =	simm.s32 @p2 $0x1082  }
0x22: {  	[simem:s7], [sflag:s8] =	dma.local @!p0 [hbm:s6], $0xF7A  }
0x23: {  	s9 =	sor.u32 $0xD0000000, s2;
	s6 =	simm.s32 $0x108;
	_ =	swait.ge @!p0 [sflag:s8], $0x0  }
0x24: {  	s3 =	sadd.s32 $0x88, s3;
	s6 =	simm.s32 @!p1 $0x1082;
	[sflag:s4] =	ssyncset.s32 $0xFFFFF086  }
0x25: {  	[simem:s6], [sflag:s4] =	dma.local [hbm:s3], $0xF7A  }
0x26: {  	[smem:$0x3F99] =	sst s1;
	(tag) =	ssettag s2;
	_ =	strace s9  }
0x27: {  	s1 =	sld [smem:$0x3FA9]  }
0x28: {  	s2 =	sld [smem:$0x3FAA]  }
0x29: {  	s4 =	sld [smem:$0x3FAC]  }
0x2a: {  	p0 =	seq.s32 s5, $0x0;
	s5 =	sld [smem:$0x3FAD]  }
0x2b: {  	s6 =	sld [smem:$0x3FAE]  }
0x2c: {  	s7 =	sld [smem:$0x3FAF]  }
0x2d: {  	s3 =	simm.s32 $0x108;
	s8 =	sld [smem:$0x3FB0]  }
0x2e: {  	s3 =	simm.s32 @!p0 $0x1082;
	s9 =	sld [smem:$0x3FB1]  }
0x2f: {  	lr =	sadd.s32 s0, s3;
	s0 =	sld [smem:$0x3FA8]  }
0x30: {  	s3 =	sld [smem:$0x3FAB]  }
0x31: {  	[smem:$0x3FB4] =	sst s10  }
0x32: {  	s10 =	sld [smem:$0x3FB2];
	_ =	sdelay $0x3  }
0x33: {  	p0 =	seq.s32 s10, $0x1;
	s10 =	sld [smem:$0x3FB4];
	_ =	sdelay $0x3  }
0x34: {  	[smem:$0x3FB4] =	sst s10  }
0x35: {  	s10 =	sld [smem:$0x3FB3];
	_ =	sdelay $0x3  }
0x36: {  	p1 =	seq.s32 s10, $0x1;
	s10 =	sld [smem:$0x3FB4];
	_ =	sdelay $0x3  }
0x37: {  	[smem:$0x3FB4] =	sst s10  }
0x38: {  	s10 =	sld [smem:$0x3FB5]  }
0x39: {  	_ = 	snop;
	(pc) =	sbr.ind lr, $3  }
0x3a: {  	_ = 	snop  }
0x3b: {  	_ = 	snop  }
0x3c: {  	p2 =	seq.s32 s10, $0x1;
	s10 =	sld [smem:$0x3FB4]  }
0x3d: {  	_ =	shalt  }
0x3e: {  	_ =	shalt  }
0x3f: {  	_ =	shalt  }
0x40: {  	_ =	shalt  }
0x41: {  	_ =	shalt  }
0x42: {  	_ =	shalt  }
0x43: {  	_ =	shalt  }
0x44: {  	_ =	shalt  }
0x45: {  	_ =	shalt  }
0x46: {  	_ =	shalt  }
0x47: {  	_ =	shalt  }
0x48: {  	_ =	shalt  }
0x49: {  	_ =	shalt  }
0x4a: {  	_ =	shalt  }
0x4b: {  	_ =	shalt  }
0x4c: {  	_ =	shalt  }
0x4d: {  	_ =	shalt  }
0x4e: {  	_ =	shalt  }
0x4f: {  	_ =	shalt  }
0x50: {  	_ =	shalt  }
0x51: {  	_ =	shalt  }
0x52: {  	_ =	shalt  }
0x53: {  	_ =	shalt  }
0x54: {  	_ =	shalt  }
0x55: {  	_ =	shalt  }
0x56: {  	_ =	shalt  }
0x57: {  	_ =	shalt  }
0x58: {  	_ =	shalt  }
0x59: {  	_ =	shalt  }
0x5a: {  	_ =	shalt  }
0x5b: {  	_ =	shalt  }
0x5c: {  	_ =	shalt  }
0x5d: {  	_ =	shalt  }
0x5e: {  	_ =	shalt  }
0x5f: {  	_ =	shalt  }
0x60: {  	_ =	shalt  }
0x61: {  	_ =	shalt  }
0x62: {  	_ =	shalt  }
0x63: {  	_ =	shalt  }
0x64: {  	_ =	shalt  }
0x65: {  	_ =	shalt  }
0x66: {  	_ =	shalt  }
0x67: {  	_ =	shalt  }
0x68: {  	_ =	shalt  }
0x69: {  	_ =	shalt  }
0x6a: {  	_ =	shalt  }
0x6b: {  	_ =	shalt  }
0x6c: {  	_ =	shalt  }
0x6d: {  	_ =	shalt  }
0x6e: {  	_ =	shalt  }
0x6f: {  	_ =	shalt  }
0x70: {  	_ =	shalt  }
0x71: {  	_ =	shalt  }
0x72: {  	_ =	shalt  }
0x73: {  	_ =	shalt  }
0x74: {  	_ =	shalt  }
0x75: {  	_ =	shalt  }
0x76: {  	_ =	shalt  }
0x77: {  	_ =	shalt  }
0x78: {  	_ =	shalt  }
0x79: {  	_ =	shalt  }
0x7a: {  	_ =	shalt  }
0x7b: {  	_ =	shalt  }
0x7c: {  	_ =	shalt  }
0x7d: {  	_ =	shalt  }
0x7e: {  	_ =	shalt  }
0x7f: {  	_ =	shalt  }
0x80: {  	_ =	shalt  }
0x81: {  	_ =	shalt  }
0x82: {  	_ =	shalt  }
0x83: {  	_ =	shalt  }
0x84: {  	_ =	shalt  }
0x85: {  	_ =	shalt  }
0x86: {  	_ =	shalt  }
0x87: {  	_ =	shalt  }
.Lfunc_end0:
.L_simem_size_0:
called_computation_lowered:
.L_overlay_start_0:
0x88: {  	s2 =	sld [smem:$0x3FD9]  }
0x89: {  	s3 =	sld [smem:$0x3FFE];
	_ =	sdelay $0x1  }
0x8a: {  	s1 =	srdreg.scid  }
0x8b: {  	s0 =	sand.u32 $0x1, s1  }
0x8c: {  	s17 =	sshll.u32 s0, $0xA;
	s2 =	sadd.s32 s3, s2  }
0x8d: {  	s2 =	sadd.s32 s2, s17  }
0x8e: {  	[smem:$0x3FC0] =	sst s2  }
0x8f: {  	_ = 	snop  }
0x90: {  	s2 =	sld [smem:$0x3FC8]  }
0x91: {  	s18 =	sld [smem:$0x3FD0];
	(tm) =	ssettm $0x1  }
0x92: {  	s4 =	sld [smem:$0x3FFB];
	_ =	sdelay $0x3  }
0x93: {  	_ =	strace s4  }
0x94: {  	s4 =	sld [smem:$0x3FFC];
	_ =	sdelay $0x3  }
0x95: {  	_ =	strace s4  }
0x96: {  	s4 =	sld [smem:$0x3FFD];
	_ =	sdelay $0x3  }
0x97: {  	_ =	strace s4  }
0x98: {  	_ =	strace $0x8FFFFFFF  }
0x99: {  	s19 =	sld [smem:$0x3FDB];
	_ =	sdelay $0x1  }
0x9a: {  	s5 =	simm.s32 $_scs_section_size  }
0x9b: {  	s6 =	simm.s32 $_size__tile_overlayer_lowered;
	s7 =	simm.s32 $_tile_overlayer_lowered  }
0x9c: {  	s22 =	simm.s32 $0x1BFF;
	s21 =	sshll.u32 s7, $0x1;
	s4 =	sadd.s32 s5, s19  }
0x9d: {  	s8 =	simm.s32 $0x0;
	s20 =	sshll.u32 s6, $0x1;
	s6 =	sadd.s32 s21, s4  }
0x9e: {  	[timem:s8], [sflag:s22] =	dma.local [hbm:s6], s20  }
0x9f: {  	_ =	swait.ge [sflag:s22], s20  }
0xa0: {  	s5 =	ssub.s32 $0x0, s20;
	[sflag:s22] =	ssyncset.done $0x0  }
0xa1: {  	[sflag:s22] =	ssyncadd.s32 s5;
	_ =	sdelay $0x1  }
0xa2: {  	s23 =	simm.s32 $0x1B8B  }
0xa3: {  	_ =	swait.ge [sflag:s23], $0x1  }
0xa4: {  	[sflag:s23] =	ssyncset.done $0x0  }
0xa5: {  	s25 =	simm.s32 $0x1B8E;
	s24 =	sld [smem:$0x3FFE];
	[sflag:s23] =	ssyncadd.s32 $0xFFFFFFFF  }
0xa6: {  	s26 =	simm.s32 $execute0_lowered;
	[smem:$0x3FD2] =	sst s25  }
0xa7: {  	s6 =	sshll.u32 s26, $0x1;
	_ =	strace $0x80000046;
	[dreg:$0x1] =	wrdreg $0xFFFFFFFF  }
0xa8: {  	s28 =	simm.s32 $_size_execute0_lowered;
	s4 =	sadd.s32 s4, s6;
	[dreg:$0x0] =	wrdreg $0x0  }
0xa9: {  	s6 =	sshll.u32 s28, $0x1;
	[dreg:$0x2] =	wrdreg s4  }
0xaa: {  	[dreg:$0x3] =	wrdreg s6  }
0xab: {  	[dreg:$0x4] =	wrdreg $0xC0  }
0xac: {  	_ =	task [dreg:s8], $0x5FFFF  }
0xad: {  	[dreg:$0x1] =	wrdreg $0xFFFFFFFF  }
0xae: {  	[dreg:$0x0] =	wrdreg $0x60  }
0xaf: {  	[dreg:$0x2] =	wrdreg s24  }
0xb0: {  	[dreg:$0x3] =	wrdreg s2  }
0xb1: {  	[dreg:$0x4] =	wrdreg s18  }
0xb2: {  	[dreg:$0x5] =	wrdreg $0x9  }
0xb3: {  	_ =	task.clear_ibuf [dreg:s8], $0x6FFFF;
	_ =	strace $0x90000046  }
0xb4: {  	s29 =	simm.s32 $0x9;
	_ =	strace $0x80000048  }
0xb5: {  	_ =	swait.ge [sflag:s29], $0x1  }
0xb6: {  	[sflag:s29] =	ssyncadd.s32 $0xFFFFFFFF  }
0xb7: {  	_ =	strace $0x90000048  }
0xb8: {  	_ =	sfence  }
0xb9: {  	s30 =	sld [smem:$0x0];
	_ =	sdelay $0x2  }
0xba: {  	s31 =	sshll.u32 s1, $0xD;
	s1 =	sshrl.u32 s1, $0x2  }
0xbb: {  	s3 =	sand.u32 $0x4000, s31;
	s1 =	sadd.s32 s1, s30  }
0xbc: {  	s0 =	sor.u32 s3, s0;
	s1 =	sshll.u32 s1, $0x11  }
0xbd: {  	s0 =	sor.u32 s1, s0  }
0xbe: {  	s0 =	sadd.s32 $0x8F2B, s0  }
0xbf: {  	[sflag:s0] =	ssyncadd.remote.s32 $0x1  }
0xc0: {  	_ =	sfence.sel $0xFFFF  }
0xc1: {  	[dreg:$0x0] =	wrdreg $0xFFFFFFFF;
	(pc) =	sbr.abs _section_cstart, $3  }
0xc2: {  	[dreg:$0x1] =	wrdreg $0xFFFFFFFF  }
0xc3: {  	_ =	task.clear_ibuf [dreg:s8], $0x2FFFF;
	_ =	strace $0x9FFFFFFF  }
0xc4: {  	(tm) =	ssettm $0x7FFFFFFF  }
0xc5: {  	_ =	shalt  }
tec
execute0_lowered:
.L_overlay_start_1:
0x0: {  	(tag) =	ssettag $0x1  }
0x1: {  	s5 =	rddreg [dreg:$0x0]  }
0x2: {  	s1 =	srdreg.scid;
	s3 =	rddreg [dreg:$0x1]  }
0x3: {  	s0 =	stileid.u32;
	s8 =	rddreg [dreg:$0x2];
	s6 =	sand.u32 $0x1, s1  }
0x4: {  	s2 =	simm.s32 $0x0;
	s4 =	sshll.u32 s0, $0x6;
	s7 =	sshll.u32 s6, $0x5  }
0x5: {  	[smem:$0x7FF] =	sst s2;
	s9 =	sor.u32 s7, s4  }
0x6: {  	s1 =	rddreg [dreg:$0x3];
	_ =	strace $0x80000047;
	s4 =	sshrl.u32 s9, $0x3  }
0x7: {  	s10 =	ssub.s32 $0x2, s6;
	s4 =	sadd.s32 s3, s4;
	s3 =	simm.s32 $0x2  }
0x8: {  	[tilespmem:s2], [sflag:$0x2] =	stream.linear.gather [hbm4b:s4+s2], $0x20, $0x38;
	[tilespmem:$0x220] =	vst v63  }
0x9: {  	s5 =	sadd.s32 $0x1600, s5;
	s11 =	sshrl.u32 s10, $0x1;
	_ =	swait.ge [sflag:s3], $0x20  }
0xa: {  	s6 =	simm.s32 $0x20;
	s10 =	ssub.s32 s10, s11;
	[sflag:s3] =	ssyncset.done $0x0  }
0xb: {  	s7 =	simm.s32 $0x1;
	s31 =	smax.u32 s10, $0x1;
	[sflag:s3] =	ssyncadd.s32 $0xFFFFFFE0  }
0xc: {  	[tilespmem:s6], [sflag:$0x1] =	stream.indirect.gather [hbm4b:s5+s6], $0x10, s2, s6, $0xb8;
	[tilespmem:$0x220] =	vst v63  }
0xd: {  	p0 =	sne.s32 s31, $0x1;
	_ =	swait.ge [sflag:s7], $0x200  }
.Ltmp0:
0xe: {  	s9 =	sshll.u32 s9, $0x1;
	[sflag:s7] =	ssyncset.done $0x0;
	(pc) =	sbr.rel @!p0 .LBB2_2-.Ltmp0, $4  }
0xf: {  	s8 =	sadd.s32 s8, s9;
	[sflag:s7] =	ssyncadd.s32 $0xFFFFFE00  }
0x10: {  	[hbm4b:s8+s2] =	stream.linear.scatter [tilespmem:s6], [sflag:$0x2], $0x200, $0x38;
	[tilespmem:$0x220] =	vst v63  }
0x11: {  	_ =	swait.ge [sflag:s3], $0x200  }
0x12: {  	s9 =	sadd.s32 $0xFFFFFFFF, s31;
	[sflag:s3] =	ssyncset.done $0x0  }
.LBB2_1:
0x13: {  	p0 =	sne.s32 s9, $0x1;
	s9 =	sadd.s32 $0xFFFFFFFF, s9;
	[sflag:s3] =	ssyncadd.s32 $0xFFFFFE00  }
0x14: {  	[tilespmem:s2], [sflag:$0x2] =	stream.linear.gather [hbm4b:s4+s2], $0x20, $0x38;
	[tilespmem:$0x220] =	vst v63  }
0x15: {  	_ =	swait.ge [sflag:s3], $0x20  }
0x16: {  	[sflag:s3] =	ssyncset.done $0x0  }
0x17: {  	[sflag:s3] =	ssyncadd.s32 $0xFFFFFFE0  }
0x18: {  	[tilespmem:s6], [sflag:$0x1] =	stream.indirect.gather [hbm4b:s5+s6], $0x10, s2, s6, $0xb8;
	[tilespmem:$0x220] =	vst v63  }
0x19: {  	_ =	swait.ge [sflag:s7], $0x200  }
.Ltmp1:
0x1a: {  	[sflag:s7] =	ssyncset.done $0x0;
	(pc) =	sbr.rel @p0 .LBB2_1-.Ltmp1, $4  }
0x1b: {  	[sflag:s7] =	ssyncadd.s32 $0xFFFFFE00  }
0x1c: {  	[hbm4b:s8+s2] =	stream.linear.scatter [tilespmem:s6], [sflag:$0x2], $0x200, $0x38;
	[tilespmem:$0x220] =	vst v63  }
0x1d: {  	_ =	swait.ge [sflag:s3], $0x200  }
0x1e: {  	[sflag:s3] =	ssyncset.done $0x0  }
.LBB2_2:
0x1f: {  	[sflag:s3] =	ssyncadd.s32 $0xFFFFFE00  }
0x20: {  	_ =	sfence.sel $0x180000  }
0x21: {  	[bflag:$0x0] =	sbarrier.arrive $0xFFFF  }
0x22: {  	p0 =	sne.s32 s0, $0x0;
	_ =	strace $0x90000047  }
0x23: {  	s0 =	sadd.s32 @!p0 $0x100000, s1;
	[bflag:$0x2] =	sbarrier.arrive $0xFFFF  }
0x24: {  	[sflag:s0] =	ssyncadd.tile.s32 @!p0 $0x1;
	_ =	shalt  }
.Lfunc_end2:
_tile_overlayer_lowered:
.L_overlay_start_2:
0x25: {  	(tag) =	ssettag $0x2  }
0x26: {  	s0 =	rddreg [dreg:$0x0];
	s2 =	stileid.u32  }
0x27: {  	s1 =	rddreg [dreg:$0x1];
	p0 =	sne.s32 s2, $0x0  }
0x28: {  	s3 =	rddreg [dreg:$0x2];
	[bflag:$0x3] =	sbarrier.arrive $0xFFFF;
	s2 =	simm.s32 @!p0 $0x1C02  }
0x29: {  	[timem:s3], [sflag:s2] =	dma.local @!p0 [hbm:s0], s1  }
0x2a: {  	s0 =	simm.s32 @!p0 $0x2  }
0x2b: {  	_ =	swait.ge @!p0 [sflag:s0], s1  }
0x2c: {  	s1 =	ssub.s32 @!p0 $0x0, s1;
	[sflag:s0] =	ssyncset.done @!p0 $0x0  }
0x2d: {  	[sflag:s0] =	ssyncadd.s32 @!p0 s1  }
0x2e: {  	[bflag:$0x3] =	sbarrier.arrive $0xFFFF  }
0x2f: {  	_ =	shalt  }

// kernel: kernel.9.cloned.1.call-start
scs
__scs_entry_jumppad:
0x0: {  	(pc) =	sbr.rel $0x88, $3  }
0x1: {  	(tag) =	ssettag $0x0;
	lr =	simm.s32 $0x1  }
0x2: {  	[smem:$0x3F99] =	sst lr;
	_ =	strace $0xD0000000  }
0x3: {  	_ = 	snop  }
0x4: {  	_ = 	snop  }
0x5: {  	_ = 	snop  }
0x6: {  	_ = 	snop  }
0x7: {  	_ = 	snop  }
__scs_overlays_trampoline_lowered:
0x8: {  	[smem:$0x3FA8] =	sst s0  }
0x9: {  	[smem:$0x3FA9] =	sst s1  }
0xa: {  	[smem:$0x3FAA] =	sst s2  }
0xb: {  	[smem:$0x3FAB] =	sst s3  }
0xc: {  	[smem:$0x3FAC] =	sst s4  }
0xd: {  	[smem:$0x3FAD] =	sst s5  }
0xe: {  	[smem:$0x3FAE] =	sst s6  }
0xf: {  	[smem:$0x3FAF] =	sst s7  }
0x10: {  	[smem:$0x3FB0] =	sst s8  }
0x11: {  	[smem:$0x3FB1] =	sst s9;
	s0 =	simm.s32 @!p0 $0x0  }
0x12: {  	s1 =	sld [smem:$0x3F97];
	s0 =	simm.s32 @p0 $0x1  }
0x13: {  	[smem:$0x3FB2] =	sst s0;
	s0 =	simm.s32 @!p1 $0x0  }
0x14: {  	s2 =	sld [smem:$0x3F96];
	s0 =	simm.s32 @p1 $0x1  }
0x15: {  	[smem:$0x3FB3] =	sst s0;
	s0 =	simm.s32 @!p2 $0x0  }
0x16: {  	s3 =	sld [smem:$0x3FDB];
	s0 =	simm.s32 @p2 $0x1  }
0x17: {  	s4 =	simm.s32 $0x1BF5;
	[smem:$0x3FB5] =	sst s0  }
0x18: {  	s0 =	sld [smem:$0x3F98];
	_ =	swait.ge [sflag:s4], $0x0  }
0x19: {  	s7 =	sld [smem:$0x3F99]  }
0x1a: {  	s8 =	sadd.s32 $0xFFFFE003, lr  }
0x1b: {  	s9 =	sadd.s32 $0xFFFFFEF7, lr;
	s5 =	simm.s32 $0xFFFFFFFF;
	p2 =	slt.u32 s8, $0xFFFFF086  }
0x1c: {  	p1 =	slt.u32 s9, $0xF7A;
	s5 =	simm.s32 @!p2 $0x0  }
0x1d: {  	s5 =	simm.s32 @p1 $0x1;
	p0 =	seq.s32 s7, s2  }
0x1e: {  	s7 =	smul.u32 @!p0 $0xF7A, s2;
	p2 =	seq.s32 @!p0 s5, $0x0  }
0x1f: {  	s9 =	smul.u32 $0xF7A, s1;
	s8 =	simm.s32 @!p0 $0x1BF5;
	p2 =	por !p2, p0  }
0x20: {  	[sflag:s8] =	ssyncset.s32 @!p0 $0xFFFFF086;
	s6 =	sadd.s32 @!p0 s3, s7;
	s7 =	simm.s32 @!p0 $0x108  }
0x21: {  	s3 =	sadd.s32 s3, s9;
	s6 =	sadd.s32 @!p0 $0x88, s6;
	s7 =	simm.s32 @p2 $0x1082  }
0x22: {  	[simem:s7], [sflag:s8] =	dma.local @!p0 [hbm:s6], $0xF7A  }
0x23: {  	s9 =	sor.u32 $0xD0000000, s2;
	s6 =	simm.s32 $0x108;
	_ =	swait.ge @!p0 [sflag:s8], $0x0  }
0x24: {  	s3 =	sadd.s32 $0x88, s3;
	s6 =	simm.s32 @!p1 $0x1082;
	[sflag:s4] =	ssyncset.s32 $0xFFFFF086  }
0x25: {  	[simem:s6], [sflag:s4] =	dma.local [hbm:s3], $0xF7A  }
0x26: {  	[smem:$0x3F99] =	sst s1;
	(tag) =	ssettag s2;
	_ =	strace s9  }
0x27: {  	s1 =	sld [smem:$0x3FA9]  }
0x28: {  	s2 =	sld [smem:$0x3FAA]  }
0x29: {  	s4 =	sld [smem:$0x3FAC]  }
0x2a: {  	p0 =	seq.s32 s5, $0x0;
	s5 =	sld [smem:$0x3FAD]  }
0x2b: {  	s6 =	sld [smem:$0x3FAE]  }
0x2c: {  	s7 =	sld [smem:$0x3FAF]  }
0x2d: {  	s3 =	simm.s32 $0x108;
	s8 =	sld [smem:$0x3FB0]  }
0x2e: {  	s3 =	simm.s32 @!p0 $0x1082;
	s9 =	sld [smem:$0x3FB1]  }
0x2f: {  	lr =	sadd.s32 s0, s3;
	s0 =	sld [smem:$0x3FA8]  }
0x30: {  	s3 =	sld [smem:$0x3FAB]  }
0x31: {  	[smem:$0x3FB4] =	sst s10  }
0x32: {  	s10 =	sld [smem:$0x3FB2];
	_ =	sdelay $0x3  }
0x33: {  	p0 =	seq.s32 s10, $0x1;
	s10 =	sld [smem:$0x3FB4];
	_ =	sdelay $0x3  }
0x34: {  	[smem:$0x3FB4] =	sst s10  }
0x35: {  	s10 =	sld [smem:$0x3FB3];
	_ =	sdelay $0x3  }
0x36: {  	p1 =	seq.s32 s10, $0x1;
	s10 =	sld [smem:$0x3FB4];
	_ =	sdelay $0x3  }
0x37: {  	[smem:$0x3FB4] =	sst s10  }
0x38: {  	s10 =	sld [smem:$0x3FB5]  }
0x39: {  	_ = 	snop;
	(pc) =	sbr.ind lr, $3  }
0x3a: {  	_ = 	snop  }
0x3b: {  	_ = 	snop  }
0x3c: {  	p2 =	seq.s32 s10, $0x1;
	s10 =	sld [smem:$0x3FB4]  }
0x3d: {  	_ =	shalt  }
0x3e: {  	_ =	shalt  }
0x3f: {  	_ =	shalt  }
0x40: {  	_ =	shalt  }
0x41: {  	_ =	shalt  }
0x42: {  	_ =	shalt  }
0x43: {  	_ =	shalt  }
0x44: {  	_ =	shalt  }
0x45: {  	_ =	shalt  }
0x46: {  	_ =	shalt  }
0x47: {  	_ =	shalt  }
0x48: {  	_ =	shalt  }
0x49: {  	_ =	shalt  }
0x4a: {  	_ =	shalt  }
0x4b: {  	_ =	shalt  }
0x4c: {  	_ =	shalt  }
0x4d: {  	_ =	shalt  }
0x4e: {  	_ =	shalt  }
0x4f: {  	_ =	shalt  }
0x50: {  	_ =	shalt  }
0x51: {  	_ =	shalt  }
0x52: {  	_ =	shalt  }
0x53: {  	_ =	shalt  }
0x54: {  	_ =	shalt  }
0x55: {  	_ =	shalt  }
0x56: {  	_ =	shalt  }
0x57: {  	_ =	shalt  }
0x58: {  	_ =	shalt  }
0x59: {  	_ =	shalt  }
0x5a: {  	_ =	shalt  }
0x5b: {  	_ =	shalt  }
0x5c: {  	_ =	shalt  }
0x5d: {  	_ =	shalt  }
0x5e: {  	_ =	shalt  }
0x5f: {  	_ =	shalt  }
0x60: {  	_ =	shalt  }
0x61: {  	_ =	shalt  }
0x62: {  	_ =	shalt  }
0x63: {  	_ =	shalt  }
0x64: {  	_ =	shalt  }
0x65: {  	_ =	shalt  }
0x66: {  	_ =	shalt  }
0x67: {  	_ =	shalt  }
0x68: {  	_ =	shalt  }
0x69: {  	_ =	shalt  }
0x6a: {  	_ =	shalt  }
0x6b: {  	_ =	shalt  }
0x6c: {  	_ =	shalt  }
0x6d: {  	_ =	shalt  }
0x6e: {  	_ =	shalt  }
0x6f: {  	_ =	shalt  }
0x70: {  	_ =	shalt  }
0x71: {  	_ =	shalt  }
0x72: {  	_ =	shalt  }
0x73: {  	_ =	shalt  }
0x74: {  	_ =	shalt  }
0x75: {  	_ =	shalt  }
0x76: {  	_ =	shalt  }
0x77: {  	_ =	shalt  }
0x78: {  	_ =	shalt  }
0x79: {  	_ =	shalt  }
0x7a: {  	_ =	shalt  }
0x7b: {  	_ =	shalt  }
0x7c: {  	_ =	shalt  }
0x7d: {  	_ =	shalt  }
0x7e: {  	_ =	shalt  }
0x7f: {  	_ =	shalt  }
0x80: {  	_ =	shalt  }
0x81: {  	_ =	shalt  }
0x82: {  	_ =	shalt  }
0x83: {  	_ =	shalt  }
0x84: {  	_ =	shalt  }
0x85: {  	_ =	shalt  }
0x86: {  	_ =	shalt  }
0x87: {  	_ =	shalt  }
.Lfunc_end0:
.L_simem_size_0:
called_computation.1_lowered:
.L_overlay_start_0:
0x88: {  	s2 =	sld [smem:$0x3FD9]  }
0x89: {  	s3 =	sld [smem:$0x3FFE];
	_ =	sdelay $0x1  }
0x8a: {  	s1 =	srdreg.scid  }
0x8b: {  	s0 =	sand.u32 $0x1, s1  }
0x8c: {  	s17 =	sshll.u32 s0, $0xA;
	s2 =	sadd.s32 s3, s2  }
0x8d: {  	s2 =	sadd.s32 s2, s17  }
0x8e: {  	[smem:$0x3FC0] =	sst s2  }
0x8f: {  	_ = 	snop  }
0x90: {  	s2 =	sld [smem:$0x3FD0];
	(tm) =	ssettm $0x1  }
0x91: {  	s18 =	sld [smem:$0x3FFB];
	_ =	sdelay $0x3  }
0x92: {  	_ =	strace s18  }
0x93: {  	s3 =	sld [smem:$0x3FFC];
	_ =	sdelay $0x3  }
0x94: {  	_ =	strace s3  }
0x95: {  	s3 =	sld [smem:$0x3FFD];
	_ =	sdelay $0x3  }
0x96: {  	_ =	strace s3  }
0x97: {  	_ =	strace $0x8FFFFFFF  }
0x98: {  	s19 =	sld [smem:$0x3FDB];
	_ =	sdelay $0x1  }
0x99: {  	s4 =	simm.s32 $_scs_section_size  }
0x9a: {  	s5 =	simm.s32 $_size__tile_overlayer_lowered;
	s6 =	simm.s32 $_tile_overlayer_lowered  }
0x9b: {  	s22 =	simm.s32 $0x1BFF;
	s21 =	sshll.u32 s6, $0x1;
	s3 =	sadd.s32 s4, s19  }
0x9c: {  	s7 =	simm.s32 $0x0;
	s20 =	sshll.u32 s5, $0x1;
	s5 =	sadd.s32 s21, s3  }
0x9d: {  	[timem:s7], [sflag:s22] =	dma.local [hbm:s5], s20  }
0x9e: {  	_ =	swait.ge [sflag:s22], s20  }
0x9f: {  	s4 =	ssub.s32 $0x0, s20;
	[sflag:s22] =	ssyncset.done $0x0  }
0xa0: {  	[sflag:s22] =	ssyncadd.s32 s4;
	_ =	sdelay $0x1  }
0xa1: {  	s23 =	simm.s32 $0x1B8B  }
0xa2: {  	_ =	swait.ge [sflag:s23], $0x1  }
0xa3: {  	[sflag:s23] =	ssyncset.done $0x0  }
0xa4: {  	s25 =	simm.s32 $0x1B8E;
	s24 =	sld [smem:$0x3FFE];
	[sflag:s23] =	ssyncadd.s32 $0xFFFFFFFF  }
0xa5: {  	s26 =	simm.s32 $execute0_lowered;
	[smem:$0x3FD2] =	sst s25  }
0xa6: {  	s5 =	sshll.u32 s26, $0x1;
	_ =	strace $0x80000049;
	[dreg:$0x1] =	wrdreg $0xFFFFFFFF  }
0xa7: {  	s28 =	simm.s32 $_size_execute0_lowered;
	s3 =	sadd.s32 s3, s5;
	[dreg:$0x0] =	wrdreg $0x0  }
0xa8: {  	s5 =	sshll.u32 s28, $0x1;
	[dreg:$0x2] =	wrdreg s3  }
0xa9: {  	[dreg:$0x3] =	wrdreg s5  }
0xaa: {  	[dreg:$0x4] =	wrdreg $0xC0  }
0xab: {  	_ =	task [dreg:s7], $0x5FFFF  }
0xac: {  	[dreg:$0x1] =	wrdreg $0xFFFFFFFF  }
0xad: {  	[dreg:$0x0] =	wrdreg $0x60  }
0xae: {  	[dreg:$0x2] =	wrdreg s24  }
0xaf: {  	[dreg:$0x3] =	wrdreg s2  }
0xb0: {  	[dreg:$0x4] =	wrdreg $0x9  }
0xb1: {  	_ =	task.clear_ibuf [dreg:s7], $0x5FFFF;
	_ =	strace $0x90000049  }
0xb2: {  	s29 =	simm.s32 $0x9;
	_ =	strace $0x8000004B  }
0xb3: {  	_ =	swait.ge [sflag:s29], $0x1  }
0xb4: {  	[sflag:s29] =	ssyncadd.s32 $0xFFFFFFFF  }
0xb5: {  	_ =	strace $0x9000004B  }
0xb6: {  	_ =	sfence  }
0xb7: {  	s30 =	sld [smem:$0x0];
	_ =	sdelay $0x2  }
0xb8: {  	s31 =	sshll.u32 s1, $0xD;
	s1 =	sshrl.u32 s1, $0x2  }
0xb9: {  	s3 =	sand.u32 $0x4000, s31;
	s1 =	sadd.s32 s1, s30  }
0xba: {  	s0 =	sor.u32 s3, s0;
	s1 =	sshll.u32 s1, $0x11  }
0xbb: {  	s0 =	sor.u32 s1, s0  }
0xbc: {  	s0 =	sadd.s32 $0x8F2B, s0  }
0xbd: {  	[sflag:s0] =	ssyncadd.remote.s32 $0x1  }
0xbe: {  	_ =	sfence.sel $0xFFFF  }
0xbf: {  	[dreg:$0x0] =	wrdreg $0xFFFFFFFF;
	(pc) =	sbr.abs _section_cstart, $3  }
0xc0: {  	[dreg:$0x1] =	wrdreg $0xFFFFFFFF  }
0xc1: {  	_ =	task.clear_ibuf [dreg:s7], $0x2FFFF;
	_ =	strace $0x9FFFFFFF  }
0xc2: {  	(tm) =	ssettm $0x7FFFFFFF  }
0xc3: {  	_ =	shalt  }
tec
execute0_lowered:
.L_overlay_start_1:
0x0: {  	(tag) =	ssettag $0x1  }
0x1: {  	s1 =	srdreg.scid  }
0x2: {  	s0 =	stileid.u32;
	s6 =	sand.u32 $0x1, s1  }
0x3: {  	s5 =	rddreg [dreg:$0x0];
	s30 =	sshll.u32 s0, $0xA;
	s2 =	sshll.u32 s6, $0x9  }
0x4: {  	s8 =	rddreg [dreg:$0x1];
	s9 =	sor.u32 s2, s30  }
0x5: {  	s1 =	rddreg [dreg:$0x2];
	s2 =	simm.s32 $0x0;
	s3 =	sshrl.u32 s9, $0x3  }
0x6: {  	s10 =	ssub.s32 $0x2, s6;
	[smem:$0x7FF] =	sst s2;
	s3 =	sadd.s32 s3, s5  }
0x7: {  	_ =	strace $0x8000004A;
	s4 =	sadd.s32 $0x11600, s3;
	s3 =	simm.s32 $0x2  }
0x8: {  	[tilespmem:s2], [sflag:$0x2] =	stream.linear.gather [hbm4b:s4+s2], $0x200, $0x38;
	[tilespmem:$0x2200] =	vst v63  }
0x9: {  	s7 =	simm.s32 $0x1;
	s11 =	sshrl.u32 s10, $0x1;
	_ =	swait.ge [sflag:s3], $0x200  }
0xa: {  	s6 =	simm.s32 $0x200;
	s10 =	ssub.s32 s10, s11;
	[sflag:s3] =	ssyncset.done $0x0  }
0xb: {  	s5 =	sadd.s32 $0x1600, s5;
	s31 =	smax.u32 s10, $0x1;
	[sflag:s3] =	ssyncadd.s32 $0xFFFFFE00  }
0xc: {  	[tilespmem:s6], [sflag:$0x1] =	stream.indirect.gather [hbm4b:s5+s6], $0x10, s2, s6, $0xb8;
	[tilespmem:$0x2200] =	vst v63  }
0xd: {  	p0 =	sne.s32 s31, $0x1;
	_ =	swait.ge [sflag:s7], $0x2000  }
.Ltmp0:
0xe: {  	s9 =	sshll.u32 s9, $0x1;
	[sflag:s7] =	ssyncset.done $0x0;
	(pc) =	sbr.rel @!p0 .LBB2_2-.Ltmp0, $4  }
0xf: {  	s8 =	sadd.s32 s8, s9;
	[sflag:s7] =	ssyncadd.s32 $0xFFFFE000  }
0x10: {  	[hbm4b:s8+s2] =	stream.linear.scatter [tilespmem:s6], [sflag:$0x2], $0x2000, $0x38;
	[tilespmem:$0x2200] =	vst v63  }
0x11: {  	_ =	swait.ge [sflag:s3], $0x2000  }
0x12: {  	s9 =	sadd.s32 $0xFFFFFFFF, s31;
	[sflag:s3] =	ssyncset.done $0x0  }
.LBB2_1:
0x13: {  	p0 =	sne.s32 s9, $0x1;
	s9 =	sadd.s32 $0xFFFFFFFF, s9;
	[sflag:s3] =	ssyncadd.s32 $0xFFFFE000  }
0x14: {  	[tilespmem:s2], [sflag:$0x2] =	stream.linear.gather [hbm4b:s4+s2], $0x200, $0x38;
	[tilespmem:$0x2200] =	vst v63  }
0x15: {  	_ =	swait.ge [sflag:s3], $0x200  }
0x16: {  	[sflag:s3] =	ssyncset.done $0x0  }
0x17: {  	[sflag:s3] =	ssyncadd.s32 $0xFFFFFE00  }
0x18: {  	[tilespmem:s6], [sflag:$0x1] =	stream.indirect.gather [hbm4b:s5+s6], $0x10, s2, s6, $0xb8;
	[tilespmem:$0x2200] =	vst v63  }
0x19: {  	_ =	swait.ge [sflag:s7], $0x2000  }
.Ltmp1:
0x1a: {  	[sflag:s7] =	ssyncset.done $0x0;
	(pc) =	sbr.rel @p0 .LBB2_1-.Ltmp1, $4  }
0x1b: {  	[sflag:s7] =	ssyncadd.s32 $0xFFFFE000  }
0x1c: {  	[hbm4b:s8+s2] =	stream.linear.scatter [tilespmem:s6], [sflag:$0x2], $0x2000, $0x38;
	[tilespmem:$0x2200] =	vst v63  }
0x1d: {  	_ =	swait.ge [sflag:s3], $0x2000  }
0x1e: {  	[sflag:s3] =	ssyncset.done $0x0  }
.LBB2_2:
0x1f: {  	[sflag:s3] =	ssyncadd.s32 $0xFFFFE000  }
0x20: {  	_ =	sfence.sel $0x180000  }
0x21: {  	[bflag:$0x0] =	sbarrier.arrive $0xFFFF  }
0x22: {  	p0 =	sne.s32 s0, $0x0;
	_ =	strace $0x9000004A  }
0x23: {  	s0 =	sadd.s32 @!p0 $0x100000, s1;
	[bflag:$0x2] =	sbarrier.arrive $0xFFFF  }
0x24: {  	[sflag:s0] =	ssyncadd.tile.s32 @!p0 $0x1;
	_ =	shalt  }
.Lfunc_end2:
_tile_overlayer_lowered:
.L_overlay_start_2:
0x25: {  	(tag) =	ssettag $0x2  }
0x26: {  	s0 =	rddreg [dreg:$0x0];
	s2 =	stileid.u32  }
0x27: {  	s1 =	rddreg [dreg:$0x1];
	p0 =	sne.s32 s2, $0x0  }
0x28: {  	s3 =	rddreg [dreg:$0x2];
	[bflag:$0x3] =	sbarrier.arrive $0xFFFF;
	s2 =	simm.s32 @!p0 $0x1C02  }
0x29: {  	[timem:s3], [sflag:s2] =	dma.local @!p0 [hbm:s0], s1  }
0x2a: {  	s0 =	simm.s32 @!p0 $0x2  }
0x2b: {  	_ =	swait.ge @!p0 [sflag:s0], s1  }
0x2c: {  	s1 =	ssub.s32 @!p0 $0x0, s1;
	[sflag:s0] =	ssyncset.done @!p0 $0x0  }
0x2d: {  	[sflag:s0] =	ssyncadd.s32 @!p0 s1  }
0x2e: {  	[bflag:$0x3] =	sbarrier.arrive $0xFFFF  }
0x2f: {  	_ =	shalt  }

</sc_bundles>
